<compile_context>
chip_gen: v7x
topology: tpu7x:2x2x1
jax: 0.10.2.dev20260603
libtpu: 0.0.44.dev20260713+nightly
codegen_flags: <defaults>
</compile_context>

<pallas_src>
import jax
import jax.numpy as jnp
from jax import lax
from jax.experimental import pallas as pl
from jax.experimental.pallas import tpu as pltpu
from jax.experimental.pallas import tpu_sc as plsc

N = 10000
E = 320000
DF = 128
DH = 16
NCORES = 2
NSUB = 16
NTILES = NCORES * NSUB
NPAD = 10240

EPT = E // NTILES
W = 80
NWIN = EPT // W
DPT = NPAD // NSUB

EPC = E // NCORES
CH = 16000
NCH = EPC // CH
STEPS = CH // 16

_mesh = plsc.VectorSubcoreMesh(core_axis_name="c", subcore_axis_name="s")


def _deg_body(dst_ref, out_ref, idx, ones, zbuf, acc):
    cid = lax.axis_index("c")
    sid = lax.axis_index("s")
    wid = cid * NSUB + sid
    for i in range(W // 16):
        ones[pl.ds(i * 16, 16)] = jnp.ones((16,), jnp.float32)

    def zb(i, carry):
        zbuf[pl.ds(i * 16, 16)] = jnp.zeros((16,), jnp.float32)
        return carry

    lax.fori_loop(0, DPT // 16, zb, 0)
    pltpu.sync_copy(zbuf, acc.at[pl.ds(sid * DPT, DPT)])
    plsc.subcore_barrier()
    pltpu.sync_copy(dst_ref.at[wid], idx)

    def body(j, carry):
        pltpu.sync_copy(ones, acc.at[idx.at[j]], add=True)
        return carry

    lax.fori_loop(0, NWIN, body, 0)
    plsc.subcore_barrier()
    pltpu.sync_copy(acc.at[pl.ds(sid * DPT, DPT)],
                    out_ref.at[cid, pl.ds(sid * DPT, DPT)])


_deg_kernel = pl.kernel(
    _deg_body,
    out_type=jax.ShapeDtypeStruct((NCORES, NPAD), jnp.float32),
    mesh=_mesh,
    compiler_params=pltpu.CompilerParams(use_tc_tiling_on_sc=False),
    scratch_types=[
        pltpu.VMEM((NWIN, W), jnp.int32),
        pltpu.VMEM((W,), jnp.float32),
        pltpu.VMEM((DPT,), jnp.float32),
        pltpu.VMEM_SHARED((NPAD,), jnp.float32),
    ],
)


def _agg_body(tab_ref, edge_ref, out_ref, ebuf, tab, acc, esem):
    cid = lax.axis_index("c")
    sid = lax.axis_index("s")
    pltpu.sync_copy(tab_ref.at[sid], tab)

    def zb(i, carry):
        acc[pl.ds(i * 16, 16)] = jnp.zeros((16,), jnp.float32)
        return carry

    lax.fori_loop(0, NPAD // 16, zb, 0)

    pltpu.async_copy(edge_ref.at[cid, 0], ebuf.at[0], esem.at[0])

    def chunk(k, carry):
        b = lax.rem(k, 2)
        nxt = 1 - b

        @pl.when(k + 1 < NCH)
        def _():
            pltpu.async_copy(edge_ref.at[cid, k + 1], ebuf.at[nxt],
                             esem.at[nxt])

        pltpu.make_async_copy(edge_ref.at[cid, k], ebuf.at[b],
                              esem.at[b]).wait()

        @plsc.parallel_loop(0, STEPS, 1, unroll=8)
        def step(i):
            e = ebuf[b, pl.ds(i * 16, 16)]
            s16 = jnp.bitwise_and(e, 0xFFFF)
            d16 = lax.shift_right_logical(e, 16)
            v = plsc.load_gather(tab, [s16])
            plsc.addupdate_scatter(acc, [d16], v)

        return carry

    lax.fori_loop(0, NCH, chunk, 0)
    pltpu.sync_copy(acc, out_ref.at[cid, sid])


_agg_kernel = pl.kernel(
    _agg_body,
    out_type=jax.ShapeDtypeStruct((NCORES, DH, NPAD), jnp.float32),
    mesh=_mesh,
    compiler_params=pltpu.CompilerParams(use_tc_tiling_on_sc=False,
                                         needs_layout_passes=False),
    scratch_types=[
        pltpu.VMEM((2, CH), jnp.int32),
        pltpu.VMEM((N,), jnp.float32),
        pltpu.VMEM((NPAD,), jnp.float32),
        pltpu.SemaphoreType.DMA((2,)),
    ],
)


def _tc1_body(x_ref, w1_ref, degp_ref, xwt_ref, z1t_ref, dinv_ref):
    deg = degp_ref[0:1, :N] + degp_ref[1:2, :N] + 1.0
    dinv = lax.rsqrt(deg)
    xwt = lax.dot_general(w1_ref[...], x_ref[...], (((0,), (1,)), ((), ())),
                          preferred_element_type=jnp.float32,
                          precision=lax.Precision.HIGHEST)
    xwt_ref[...] = xwt
    z1t_ref[...] = xwt * dinv
    dinv_ref[...] = dinv


def _tc1(x, w1, degp):
    return pl.pallas_call(
        _tc1_body,
        out_shape=[
            jax.ShapeDtypeStruct((DH, N), jnp.float32),
            jax.ShapeDtypeStruct((DH, N), jnp.float32),
            jax.ShapeDtypeStruct((1, N), jnp.float32),
        ],
    )(x, w1, degp)


def _tc2_body(agg_ref, xwt_ref, dinv_ref, w2_ref, b1_ref, hw2t_ref, z2t_ref):
    dinv = dinv_ref[...]
    agg = agg_ref[0, :, :N] + agg_ref[1, :, :N]
    pre = dinv * agg + dinv * dinv * xwt_ref[...] + b1_ref[...]
    h = jnp.maximum(pre, 0.0)
    hw2t = lax.dot_general(w2_ref[...], h, (((0,), (0,)), ((), ())),
                           preferred_element_type=jnp.float32,
                           precision=lax.Precision.HIGHEST)
    hw2t_ref[...] = hw2t
    z2t_ref[...] = hw2t * dinv


def _tc2(agg1, xwt, dinv, w2, b1):
    return pl.pallas_call(
        _tc2_body,
        out_shape=[
            jax.ShapeDtypeStruct((DH, N), jnp.float32),
            jax.ShapeDtypeStruct((DH, N), jnp.float32),
        ],
    )(agg1, xwt, dinv, w2, b1)


def _tc3_body(agg_ref, hw2t_ref, dinv_ref, b2_ref, eye_ref, out_ref):
    dinv = dinv_ref[...]
    lg = (dinv * (agg_ref[0, :, :N] + agg_ref[1, :, :N])
          + dinv * dinv * hw2t_ref[...] + b2_ref[...])
    m = jnp.max(lg, axis=0, keepdims=True)
    s = jnp.sum(jnp.exp(lg - m), axis=0, keepdims=True)
    lsm = lg - m - jnp.log(s)
    out_ref[...] = lax.dot_general(lsm, eye_ref[...], (((0,), (0,)), ((), ())),
                                   preferred_element_type=jnp.float32,
                                   precision=lax.Precision.HIGHEST)


def _tc3(agg2, hw2t, dinv, b2, eye):
    return pl.pallas_call(
        _tc3_body,
        out_shape=jax.ShapeDtypeStruct((N, DH), jnp.float32),
    )(agg2, hw2t, dinv, b2, eye)


def kernel(x, edge_index, W1, b1, W2, b2):
    src = edge_index[0].astype(jnp.int32)
    dst = edge_index[1].astype(jnp.int32)
    epack = jnp.bitwise_or(src, lax.shift_left(dst, 16))
    edges = epack.reshape(NCORES, NCH, CH)
    dstw = dst.reshape(NTILES, NWIN, W)
    degp = _deg_kernel(dstw)
    xwt, z1t, dinv = _tc1(x, W1, degp)
    agg1 = _agg_kernel(z1t, edges)
    hw2t, z2t = _tc2(agg1, xwt, dinv, W2, b1.reshape(DH, 1))
    agg2 = _agg_kernel(z2t, edges)
    return _tc3(agg2, hw2t, dinv, b2.reshape(DH, 1),
                jnp.eye(DH, dtype=jnp.float32))

# --- scband reference (transcript-rebuilt; emitter-appended) ---
"""Pipeline reference for scband-net-67430986547796 (READ-ONLY COPY).

The authoritative reference and input builder live on the scoring server;
editing this copy changes nothing except your own understanding.
"""

import jax, jax.numpy as jnp
import numpy as np

N_NODES = 10000
N_EDGES = 320000
D_FEAT = 128
D_HID = 16
N_CLASSES = 16


def _glorot(key, shape):
    fan_in, fan_out = shape[0], shape[1]
    limit = jnp.sqrt(6.0 / (fan_in + fan_out))
    return jax.random.uniform(key, shape, minval=-limit, maxval=limit, dtype=jnp.float32)


def setup_inputs(seed: int = 0) -> dict:
    key = jax.random.key(seed)
    k_x, k_e, k_w1, k_w2 = jax.random.split(key, 4)
    x = jax.random.normal(k_x, (N_NODES, D_FEAT), dtype=jnp.float32)
    edge_index = jax.random.randint(k_e, (2, N_EDGES), 0, N_NODES, dtype=jnp.int64)
    W1 = _glorot(k_w1, (D_FEAT, D_HID))
    b1 = jnp.zeros((D_HID,), dtype=jnp.float32)
    W2 = _glorot(k_w2, (D_HID, N_CLASSES))
    b2 = jnp.zeros((N_CLASSES,), dtype=jnp.float32)
    return {"x": x, "edge_index": edge_index, "W1": W1, "b1": b1, "W2": W2, "b2": b2}


def _gcn_conv(x, edge_index, W, b, num_nodes):
    # GCNConv with normalize=True: add self-loops, symmetric normalization, then aggregate.
    xw = x @ W
    src = edge_index[0]
    dst = edge_index[1]
    loop = jnp.arange(num_nodes, dtype=src.dtype)
    src = jnp.concatenate([src, loop])
    dst = jnp.concatenate([dst, loop])
    ones = jnp.ones_like(dst, dtype=jnp.float32)
    deg = jax.ops.segment_sum(ones, dst, num_segments=num_nodes)
    deg_inv_sqrt = jnp.where(deg > 0, jax.lax.rsqrt(deg), 0.0)
    norm = deg_inv_sqrt[src] * deg_inv_sqrt[dst]
    msgs = norm[:, None] * jnp.take(xw, src, axis=0)
    out = jax.ops.segment_sum(msgs, dst, num_segments=num_nodes)
    return out + b


def reference(x, edge_index, W1, b1, W2, b2):
    num_nodes = x.shape[0]
    h = _gcn_conv(x, edge_index, W1, b1, num_nodes)
    h = jax.nn.relu(h)
    # F.dropout(training=self.training) is identity in eval mode
    logits = _gcn_conv(h, edge_index, W2, b2, num_nodes)
    return jax.nn.log_softmax(logits, axis=1)

if __name__ == "__main__":
    import jax
    _d = setup_inputs()
    print(jax.jit(kernel)(*tuple(_d.values())))

</pallas_src>

<mosaic_0001>
#map = affine_map<(d0, d1) -> (0, 0)>
#map1 = affine_map<(d0, d1) -> (0, 0, 0)>
module attributes {stable_mosaic.version = 14 : i64} {
  func.func @_agg_body(%arg0: i32, %arg1: i32, %arg2: memref<16x10000xf32, #tpu.memory_space<hbm>>, %arg3: memref<2x10x16000xi32, #tpu.memory_space<hbm>>, %arg4: memref<2x16x10240xf32, #tpu.memory_space<hbm>>, %arg5: memref<2x16000xi32, #tpu.memory_space<vmem>>, %arg6: memref<10000xf32, #tpu.memory_space<vmem>>, %arg7: memref<10240xf32, #tpu.memory_space<vmem>>, %arg8: memref<2x!tpu.dma_semaphore, #tpu.memory_space<semaphore_mem>>) attributes {dimension_semantics = [#tpu.dimension_semantics<core_parallel>, #tpu.dimension_semantics<subcore_parallel>], iteration_bounds = array<i64: 2, 16>, scalar_prefetch = 0 : i64, scratch_operands = 4 : i64, tpu.core_type = #tpu.core_type<sc_vector_subcore>, window_params = [{transform_indices = #map}, {transform_indices = #map1}, {transform_indices = #map1}]} {
    "tpu.region"() ({
      %run_scoped3A = tpu.sem_alloc : memref<!tpu.dma_semaphore, #tpu.memory_space<semaphore_mem>>
      %dma_start3A_27 = arith.constant 0 : i32
      %dma_start3A_28 = tpu.memref_slice %arg2[%arg1, %dma_start3A_27] : memref<16x10000xf32, #tpu.memory_space<hbm>> -> memref<1x10000xf32, #tpu.memory_space<hbm>>
      %dma_start3A_29 = tpu.memref_squeeze %dma_start3A_28 : memref<1x10000xf32, #tpu.memory_space<hbm>> -> memref<10000xf32, #tpu.memory_space<hbm>>
      %dma_start3A_30 = arith.constant 0 : i32
      %dma_start3A_31 = tpu.memref_slice %arg2[%arg1, %dma_start3A_30] : memref<16x10000xf32, #tpu.memory_space<hbm>> -> memref<1x10000xf32, #tpu.memory_space<hbm>>
      %dma_start3A_32 = tpu.memref_squeeze %dma_start3A_31 : memref<1x10000xf32, #tpu.memory_space<hbm>> -> memref<10000xf32, #tpu.memory_space<hbm>>
      tpu.enqueue_dma source(%dma_start3A_32 : memref<10000xf32, #tpu.memory_space<hbm>>) target(%arg6 : memref<10000xf32, #tpu.memory_space<vmem>>) target_semaphore(%run_scoped3A : memref<!tpu.dma_semaphore, #tpu.memory_space<semaphore_mem>>)
      %dma_wait3A = arith.constant 0 : i32
      %dma_wait3A_33 = tpu.memref_slice %arg2[%arg1, %dma_wait3A] : memref<16x10000xf32, #tpu.memory_space<hbm>> -> memref<1x10000xf32, #tpu.memory_space<hbm>>
      %dma_wait3A_34 = tpu.memref_squeeze %dma_wait3A_33 : memref<1x10000xf32, #tpu.memory_space<hbm>> -> memref<10000xf32, #tpu.memory_space<hbm>>
      %dma_wait3A_35 = arith.constant 0 : i32
      %dma_wait3A_36 = tpu.memref_slice %arg2[%arg1, %dma_wait3A_35] : memref<16x10000xf32, #tpu.memory_space<hbm>> -> memref<1x10000xf32, #tpu.memory_space<hbm>>
      %dma_wait3A_37 = tpu.memref_squeeze %dma_wait3A_36 : memref<1x10000xf32, #tpu.memory_space<hbm>> -> memref<10000xf32, #tpu.memory_space<hbm>>
      tpu.wait_dma2 semaphore(%run_scoped3A : memref<!tpu.dma_semaphore, #tpu.memory_space<semaphore_mem>>) src(%dma_wait3A_37 : memref<10000xf32, #tpu.memory_space<hbm>>) dst(%arg6 : memref<10000xf32, #tpu.memory_space<vmem>>)
      tpu.yield
    }) : () -> ()
    %scan3A = arith.constant 0 : i32
    %scan3A_0 = arith.constant 0 : i32
    %scan3A_1 = arith.constant 640 : i32
    %scan3A_2 = arith.addi %scan3A_0, %scan3A_1 : i32
    %scan3A_3 = arith.constant 1 : i32
    scf.for %scan3A_27 = %scan3A_0 to %scan3A_2 step %scan3A_3  : i32 {
      %broadcast_in_dim3A = arith.constant 0.000000e+00 : f32
      %broadcast_in_dim3A_28 = vector.broadcast %broadcast_in_dim3A : f32 to vector<16xf32>
      %mul3A = arith.constant 16 : i32
      %mul3A_29 = arith.muli %scan3A_27, %mul3A : i32
      %swap3A = arith.index_cast %mul3A_29 : i32 to index
      %swap3A_30 = tpu.vector_load %arg7[%swap3A] {strides = array<i32>} : memref<10240xf32, #tpu.memory_space<vmem>>, vector<16xf32>,
      tpu.vector_store %arg7[%swap3A], %broadcast_in_dim3A_28 {strides = array<i32>} : memref<10240xf32, #tpu.memory_space<vmem>>, vector<16xf32>,
    }
    %scan3A_4 = arith.constant 640 : i32
    %dma_start3A = arith.constant 0 : i32
    %dma_start3A_5 = arith.constant 0 : i32
    %dma_start3A_6 = arith.constant 0 : i32
    %dma_start3A_7 = arith.constant 0 : i32
    %dma_start3A_8 = tpu.memref_slice %arg5[%dma_start3A_5, %dma_start3A_7] : memref<2x16000xi32, #tpu.memory_space<vmem>> -> memref<1x16000xi32, #tpu.memory_space<vmem>>
    %dma_start3A_9 = tpu.memref_squeeze %dma_start3A_8 : memref<1x16000xi32, #tpu.memory_space<vmem>> -> memref<16000xi32, #tpu.memory_space<vmem>>
    %dma_start3A_10 = arith.constant 0 : i32
    %dma_start3A_11 = tpu.memref_slice %arg3[%arg0, %dma_start3A, %dma_start3A_10] : memref<2x10x16000xi32, #tpu.memory_space<hbm>> -> memref<1x1x16000xi32, #tpu.memory_space<hbm>>
    %dma_start3A_12 = tpu.memref_squeeze %dma_start3A_11 : memref<1x1x16000xi32, #tpu.memory_space<hbm>> -> memref<16000xi32, #tpu.memory_space<hbm>>
    %dma_start3A_13 = tpu.memref_slice %arg8[%dma_start3A_6] : memref<2x!tpu.dma_semaphore, #tpu.memory_space<semaphore_mem>> -> memref<1x!tpu.dma_semaphore, #tpu.memory_space<semaphore_mem>>
    %dma_start3A_14 = tpu.memref_squeeze %dma_start3A_13 : memref<1x!tpu.dma_semaphore, #tpu.memory_space<semaphore_mem>> -> memref<!tpu.dma_semaphore, #tpu.memory_space<semaphore_mem>>
    %dma_start3A_15 = arith.constant 0 : i32
    %dma_start3A_16 = tpu.memref_slice %arg5[%dma_start3A_5, %dma_start3A_15] : memref<2x16000xi32, #tpu.memory_space<vmem>> -> memref<1x16000xi32, #tpu.memory_space<vmem>>
    %dma_start3A_17 = tpu.memref_squeeze %dma_start3A_16 : memref<1x16000xi32, #tpu.memory_space<vmem>> -> memref<16000xi32, #tpu.memory_space<vmem>>
    %dma_start3A_18 = arith.constant 0 : i32
    %dma_start3A_19 = tpu.memref_slice %arg3[%arg0, %dma_start3A, %dma_start3A_18] : memref<2x10x16000xi32, #tpu.memory_space<hbm>> -> memref<1x1x16000xi32, #tpu.memory_space<hbm>>
    %dma_start3A_20 = tpu.memref_squeeze %dma_start3A_19 : memref<1x1x16000xi32, #tpu.memory_space<hbm>> -> memref<16000xi32, #tpu.memory_space<hbm>>
    tpu.enqueue_dma source(%dma_start3A_20 : memref<16000xi32, #tpu.memory_space<hbm>>) target(%dma_start3A_17 : memref<16000xi32, #tpu.memory_space<vmem>>) target_semaphore(%dma_start3A_14 : memref<!tpu.dma_semaphore, #tpu.memory_space<semaphore_mem>>)
    %scan3A_21 = arith.constant 0 : i32
    %scan3A_22 = arith.constant 0 : i32
    %scan3A_23 = arith.constant 10 : i32
    %scan3A_24 = arith.addi %scan3A_22, %scan3A_23 : i32
    %scan3A_25 = arith.constant 1 : i32
    scf.for %scan3A_27 = %scan3A_22 to %scan3A_24 step %scan3A_25  : i32 {
      %rem3A = arith.constant 2 : i32
      %rem3A_28 = arith.remsi %scan3A_27, %rem3A : i32
      %sub3A = arith.constant 1 : i32
      %sub3A_29 = arith.subi %sub3A, %rem3A_28 : i32
      %add3A = arith.constant 1 : i32
      %add3A_30 = arith.addi %scan3A_27, %add3A : i32
      %lt3A = arith.constant 10 : i32
      %lt3A_31 = arith.cmpi slt, %add3A_30, %lt3A : i32
      %convert_element_type3A = arith.extui %lt3A_31 : i1 to i32
      %cond3A = arith.constant 0 : i32
      %cond3A_32 = arith.cmpi ne, %convert_element_type3A, %cond3A : i32
      scf.if %cond3A_32 {
        %add3A_48 = arith.constant 1 : i32
        %add3A_49 = arith.addi %scan3A_27, %add3A_48 : i32
        %dma_start3A_50 = arith.constant 0 : i32
        %dma_start3A_51 = tpu.memref_slice %arg5[%sub3A_29, %dma_start3A_50] : memref<2x16000xi32, #tpu.memory_space<vmem>> -> memref<1x16000xi32, #tpu.memory_space<vmem>>
        %dma_start3A_52 = tpu.memref_squeeze %dma_start3A_51 : memref<1x16000xi32, #tpu.memory_space<vmem>> -> memref<16000xi32, #tpu.memory_space<vmem>>
        %dma_start3A_53 = arith.constant 0 : i32
        %dma_start3A_54 = tpu.memref_slice %arg3[%arg0, %add3A_49, %dma_start3A_53] : memref<2x10x16000xi32, #tpu.memory_space<hbm>> -> memref<1x1x16000xi32, #tpu.memory_space<hbm>>
        %dma_start3A_55 = tpu.memref_squeeze %dma_start3A_54 : memref<1x1x16000xi32, #tpu.memory_space<hbm>> -> memref<16000xi32, #tpu.memory_space<hbm>>
        %dma_start3A_56 = tpu.memref_slice %arg8[%sub3A_29] : memref<2x!tpu.dma_semaphore, #tpu.memory_space<semaphore_mem>> -> memref<1x!tpu.dma_semaphore, #tpu.memory_space<semaphore_mem>>
        %dma_start3A_57 = tpu.memref_squeeze %dma_start3A_56 : memref<1x!tpu.dma_semaphore, #tpu.memory_space<semaphore_mem>> -> memref<!tpu.dma_semaphore, #tpu.memory_space<semaphore_mem>>
        %dma_start3A_58 = arith.constant 0 : i32
        %dma_start3A_59 = tpu.memref_slice %arg5[%sub3A_29, %dma_start3A_58] : memref<2x16000xi32, #tpu.memory_space<vmem>> -> memref<1x16000xi32, #tpu.memory_space<vmem>>
        %dma_start3A_60 = tpu.memref_squeeze %dma_start3A_59 : memref<1x16000xi32, #tpu.memory_space<vmem>> -> memref<16000xi32, #tpu.memory_space<vmem>>
        %dma_start3A_61 = arith.constant 0 : i32
        %dma_start3A_62 = tpu.memref_slice %arg3[%arg0, %add3A_49, %dma_start3A_61] : memref<2x10x16000xi32, #tpu.memory_space<hbm>> -> memref<1x1x16000xi32, #tpu.memory_space<hbm>>
        %dma_start3A_63 = tpu.memref_squeeze %dma_start3A_62 : memref<1x1x16000xi32, #tpu.memory_space<hbm>> -> memref<16000xi32, #tpu.memory_space<hbm>>
        tpu.enqueue_dma source(%dma_start3A_63 : memref<16000xi32, #tpu.memory_space<hbm>>) target(%dma_start3A_60 : memref<16000xi32, #tpu.memory_space<vmem>>) target_semaphore(%dma_start3A_57 : memref<!tpu.dma_semaphore, #tpu.memory_space<semaphore_mem>>)
      } else {
      }
      %dma_wait3A = arith.constant 0 : i32
      %dma_wait3A_33 = tpu.memref_slice %arg5[%rem3A_28, %dma_wait3A] : memref<2x16000xi32, #tpu.memory_space<vmem>> -> memref<1x16000xi32, #tpu.memory_space<vmem>>
      %dma_wait3A_34 = tpu.memref_squeeze %dma_wait3A_33 : memref<1x16000xi32, #tpu.memory_space<vmem>> -> memref<16000xi32, #tpu.memory_space<vmem>>
      %dma_wait3A_35 = arith.constant 0 : i32
      %dma_wait3A_36 = tpu.memref_slice %arg3[%arg0, %scan3A_27, %dma_wait3A_35] : memref<2x10x16000xi32, #tpu.memory_space<hbm>> -> memref<1x1x16000xi32, #tpu.memory_space<hbm>>
      %dma_wait3A_37 = tpu.memref_squeeze %dma_wait3A_36 : memref<1x1x16000xi32, #tpu.memory_space<hbm>> -> memref<16000xi32, #tpu.memory_space<hbm>>
      %dma_wait3A_38 = tpu.memref_slice %arg8[%rem3A_28] : memref<2x!tpu.dma_semaphore, #tpu.memory_space<semaphore_mem>> -> memref<1x!tpu.dma_semaphore, #tpu.memory_space<semaphore_mem>>
      %dma_wait3A_39 = tpu.memref_squeeze %dma_wait3A_38 : memref<1x!tpu.dma_semaphore, #tpu.memory_space<semaphore_mem>> -> memref<!tpu.dma_semaphore, #tpu.memory_space<semaphore_mem>>
      %dma_wait3A_40 = arith.constant 0 : i32
      %dma_wait3A_41 = tpu.memref_slice %arg5[%rem3A_28, %dma_wait3A_40] : memref<2x16000xi32, #tpu.memory_space<vmem>> -> memref<1x16000xi32, #tpu.memory_space<vmem>>
      %dma_wait3A_42 = tpu.memref_squeeze %dma_wait3A_41 : memref<1x16000xi32, #tpu.memory_space<vmem>> -> memref<16000xi32, #tpu.memory_space<vmem>>
      %dma_wait3A_43 = arith.constant 0 : i32
      %dma_wait3A_44 = tpu.memref_slice %arg3[%arg0, %scan3A_27, %dma_wait3A_43] : memref<2x10x16000xi32, #tpu.memory_space<hbm>> -> memref<1x1x16000xi32, #tpu.memory_space<hbm>>
      %dma_wait3A_45 = tpu.memref_squeeze %dma_wait3A_44 : memref<1x1x16000xi32, #tpu.memory_space<hbm>> -> memref<16000xi32, #tpu.memory_space<hbm>>
      tpu.wait_dma2 semaphore(%dma_wait3A_39 : memref<!tpu.dma_semaphore, #tpu.memory_space<semaphore_mem>>) src(%dma_wait3A_45 : memref<16000xi32, #tpu.memory_space<hbm>>) dst(%dma_wait3A_42 : memref<16000xi32, #tpu.memory_space<vmem>>)
      %parallel_loop3A = arith.constant 0 : i32
      %parallel_loop3A_46 = arith.constant 1000 : i32
      %parallel_loop3A_47 = arith.constant 1 : i32
      scf.for %parallel_loop3A_48 = %parallel_loop3A to %parallel_loop3A_46 step %parallel_loop3A_47  : i32 {
        %parallel_loop3A_49 = arith.constant 16 : i32
        %parallel_loop3A_50 = arith.muli %parallel_loop3A_48, %parallel_loop3A_49 : i32
        %parallel_loop3A_51 = arith.index_cast %rem3A_28 : i32 to index
        %parallel_loop3A_52 = arith.index_cast %parallel_loop3A_50 : i32 to index
        %parallel_loop3A_53 = tpu.vector_load %arg5[%parallel_loop3A_51, %parallel_loop3A_52] {strides = array<i32>} : memref<2x16000xi32, #tpu.memory_space<vmem>>, vector<16xi32>,
        %parallel_loop3A_54 = arith.constant 65535 : i32
        %parallel_loop3A_55 = vector.broadcast %parallel_loop3A_54 : i32 to vector<16xi32>
        %parallel_loop3A_56 = arith.andi %parallel_loop3A_53, %parallel_loop3A_55 : vector<16xi32>
        %parallel_loop3A_57 = arith.constant 16 : i32
        %parallel_loop3A_58 = vector.broadcast %parallel_loop3A_57 : i32 to vector<16xi32>
        %parallel_loop3A_59 = arith.shrui %parallel_loop3A_53, %parallel_loop3A_58 : vector<16xi32>
        %parallel_loop3A_60 = tpu.vector_load_idx %arg6[%parallel_loop3A_56] : memref<10000xf32, #tpu.memory_space<vmem>>[vector<16xi32>], vector<16xf32>,
        tpu.vector_store_idx %arg7[%parallel_loop3A_59], %parallel_loop3A_60 {add = true} : memref<10240xf32, #tpu.memory_space<vmem>>[vector<16xi32>], vector<16xf32>,
      } {sc.loop_unroll_factor = 8 : i64, sc.parallel_access}
    }
    %scan3A_26 = arith.constant 10 : i32
    "tpu.region"() ({
      %run_scoped3A = tpu.sem_alloc : memref<!tpu.dma_semaphore, #tpu.memory_space<semaphore_mem>>
      %dma_start3A_27 = arith.constant 0 : i32
      %dma_start3A_28 = tpu.memref_slice %arg4[%arg0, %arg1, %dma_start3A_27] : memref<2x16x10240xf32, #tpu.memory_space<hbm>> -> memref<1x1x10240xf32, #tpu.memory_space<hbm>>
      %dma_start3A_29 = tpu.memref_squeeze %dma_start3A_28 : memref<1x1x10240xf32, #tpu.memory_space<hbm>> -> memref<10240xf32, #tpu.memory_space<hbm>>
      %dma_start3A_30 = arith.constant 0 : i32
      %dma_start3A_31 = tpu.memref_slice %arg4[%arg0, %arg1, %dma_start3A_30] : memref<2x16x10240xf32, #tpu.memory_space<hbm>> -> memref<1x1x10240xf32, #tpu.memory_space<hbm>>
      %dma_start3A_32 = tpu.memref_squeeze %dma_start3A_31 : memref<1x1x10240xf32, #tpu.memory_space<hbm>> -> memref<10240xf32, #tpu.memory_space<hbm>>
      tpu.enqueue_dma source(%arg7 : memref<10240xf32, #tpu.memory_space<vmem>>) target(%dma_start3A_32 : memref<10240xf32, #tpu.memory_space<hbm>>) target_semaphore(%run_scoped3A : memref<!tpu.dma_semaphore, #tpu.memory_space<semaphore_mem>>)
      %dma_wait3A = arith.constant 0 : i32
      %dma_wait3A_33 = tpu.memref_slice %arg4[%arg0, %arg1, %dma_wait3A] : memref<2x16x10240xf32, #tpu.memory_space<hbm>> -> memref<1x1x10240xf32, #tpu.memory_space<hbm>>
      %dma_wait3A_34 = tpu.memref_squeeze %dma_wait3A_33 : memref<1x1x10240xf32, #tpu.memory_space<hbm>> -> memref<10240xf32, #tpu.memory_space<hbm>>
      %dma_wait3A_35 = arith.constant 0 : i32
      %dma_wait3A_36 = tpu.memref_slice %arg4[%arg0, %arg1, %dma_wait3A_35] : memref<2x16x10240xf32, #tpu.memory_space<hbm>> -> memref<1x1x10240xf32, #tpu.memory_space<hbm>>
      %dma_wait3A_37 = tpu.memref_squeeze %dma_wait3A_36 : memref<1x1x10240xf32, #tpu.memory_space<hbm>> -> memref<10240xf32, #tpu.memory_space<hbm>>
      tpu.wait_dma2 semaphore(%run_scoped3A : memref<!tpu.dma_semaphore, #tpu.memory_space<semaphore_mem>>) src(%arg7 : memref<10240xf32, #tpu.memory_space<vmem>>) dst(%dma_wait3A_37 : memref<10240xf32, #tpu.memory_space<hbm>>)
      tpu.yield
    }) : () -> ()
    return
  }
}

#map = affine_map<(d0, d1) -> (0, 0, 0)>
#map1 = affine_map<(d0, d1) -> (0, 0)>
module attributes {stable_mosaic.version = 14 : i64} {
  func.func @_deg_body(%arg0: i32, %arg1: i32, %arg2: memref<32x125x80xi32, #tpu.memory_space<hbm>>, %arg3: memref<2x10240xf32, #tpu.memory_space<hbm>>, %arg4: memref<125x80xi32, #tpu.memory_space<vmem>>, %arg5: memref<80xf32, #tpu.memory_space<vmem>>, %arg6: memref<640xf32, #tpu.memory_space<vmem>>, %arg7: memref<10240xf32, #tpu.memory_space<vmem_shared>>) attributes {dimension_semantics = [#tpu.dimension_semantics<core_parallel>, #tpu.dimension_semantics<subcore_parallel>], iteration_bounds = array<i64: 2, 16>, scalar_prefetch = 0 : i64, scratch_operands = 4 : i64, tpu.core_type = #tpu.core_type<sc_vector_subcore>, window_params = [{transform_indices = #map}, {transform_indices = #map1}]} {
    %mul3A = arith.constant 16 : i32
    %mul3A_0 = arith.muli %arg0, %mul3A : i32
    %add3A = arith.addi %mul3A_0, %arg1 : i32
    %broadcast_in_dim3A = arith.constant 1.000000e+00 : f32
    %broadcast_in_dim3A_1 = vector.broadcast %broadcast_in_dim3A : f32 to vector<16xf32>
    %swap3A = arith.constant 0 : index
    %swap3A_2 = tpu.vector_load %arg5[%swap3A] {strides = array<i32>} : memref<80xf32, #tpu.memory_space<vmem>>, vector<16xf32>,
    %swap3A_3 = vector.shape_cast %swap3A_2 : vector<16xf32> to vector<16xf32>
    %swap3A_4 = vector.shape_cast %broadcast_in_dim3A_1 : vector<16xf32> to vector<16xf32>
    tpu.vector_store %arg5[%swap3A], %swap3A_4 {strides = array<i32>} : memref<80xf32, #tpu.memory_space<vmem>>, vector<16xf32>,
    %broadcast_in_dim3A_5 = arith.constant 1.000000e+00 : f32
    %broadcast_in_dim3A_6 = vector.broadcast %broadcast_in_dim3A_5 : f32 to vector<16xf32>
    %swap3A_7 = arith.constant 16 : index
    %swap3A_8 = tpu.vector_load %arg5[%swap3A_7] {strides = array<i32>} : memref<80xf32, #tpu.memory_space<vmem>>, vector<16xf32>,
    %swap3A_9 = vector.shape_cast %swap3A_8 : vector<16xf32> to vector<16xf32>
    %swap3A_10 = vector.shape_cast %broadcast_in_dim3A_6 : vector<16xf32> to vector<16xf32>
    tpu.vector_store %arg5[%swap3A_7], %swap3A_10 {strides = array<i32>} : memref<80xf32, #tpu.memory_space<vmem>>, vector<16xf32>,
    %broadcast_in_dim3A_11 = arith.constant 1.000000e+00 : f32
    %broadcast_in_dim3A_12 = vector.broadcast %broadcast_in_dim3A_11 : f32 to vector<16xf32>
    %swap3A_13 = arith.constant 32 : index
    %swap3A_14 = tpu.vector_load %arg5[%swap3A_13] {strides = array<i32>} : memref<80xf32, #tpu.memory_space<vmem>>, vector<16xf32>,
    %swap3A_15 = vector.shape_cast %swap3A_14 : vector<16xf32> to vector<16xf32>
    %swap3A_16 = vector.shape_cast %broadcast_in_dim3A_12 : vector<16xf32> to vector<16xf32>
    tpu.vector_store %arg5[%swap3A_13], %swap3A_16 {strides = array<i32>} : memref<80xf32, #tpu.memory_space<vmem>>, vector<16xf32>,
    %broadcast_in_dim3A_17 = arith.constant 1.000000e+00 : f32
    %broadcast_in_dim3A_18 = vector.broadcast %broadcast_in_dim3A_17 : f32 to vector<16xf32>
    %swap3A_19 = arith.constant 48 : index
    %swap3A_20 = tpu.vector_load %arg5[%swap3A_19] {strides = array<i32>} : memref<80xf32, #tpu.memory_space<vmem>>, vector<16xf32>,
    %swap3A_21 = vector.shape_cast %swap3A_20 : vector<16xf32> to vector<16xf32>
    %swap3A_22 = vector.shape_cast %broadcast_in_dim3A_18 : vector<16xf32> to vector<16xf32>
    tpu.vector_store %arg5[%swap3A_19], %swap3A_22 {strides = array<i32>} : memref<80xf32, #tpu.memory_space<vmem>>, vector<16xf32>,
    %broadcast_in_dim3A_23 = arith.constant 1.000000e+00 : f32
    %broadcast_in_dim3A_24 = vector.broadcast %broadcast_in_dim3A_23 : f32 to vector<16xf32>
    %swap3A_25 = arith.constant 64 : index
    %swap3A_26 = tpu.vector_load %arg5[%swap3A_25] {strides = array<i32>} : memref<80xf32, #tpu.memory_space<vmem>>, vector<16xf32>,
    %swap3A_27 = vector.shape_cast %swap3A_26 : vector<16xf32> to vector<16xf32>
    %swap3A_28 = vector.shape_cast %broadcast_in_dim3A_24 : vector<16xf32> to vector<16xf32>
    tpu.vector_store %arg5[%swap3A_25], %swap3A_28 {strides = array<i32>} : memref<80xf32, #tpu.memory_space<vmem>>, vector<16xf32>,
    %scan3A = arith.constant 0 : i32
    %scan3A_29 = arith.constant 0 : i32
    %scan3A_30 = arith.constant 40 : i32
    %scan3A_31 = arith.addi %scan3A_29, %scan3A_30 : i32
    %scan3A_32 = arith.constant 1 : i32
    scf.for %scan3A_47 = %scan3A_29 to %scan3A_31 step %scan3A_32  : i32 {
      %broadcast_in_dim3A_48 = arith.constant 0.000000e+00 : f32
      %broadcast_in_dim3A_49 = vector.broadcast %broadcast_in_dim3A_48 : f32 to vector<16xf32>
      %mul3A_50 = arith.constant 16 : i32
      %mul3A_51 = arith.muli %scan3A_47, %mul3A_50 : i32
      %swap3A_52 = arith.index_cast %mul3A_51 : i32 to index
      %swap3A_53 = tpu.vector_load %arg6[%swap3A_52] {strides = array<i32>} : memref<640xf32, #tpu.memory_space<vmem>>, vector<16xf32>,
      %swap3A_54 = vector.shape_cast %swap3A_53 : vector<16xf32> to vector<16xf32>
      %swap3A_55 = vector.shape_cast %broadcast_in_dim3A_49 : vector<16xf32> to vector<16xf32>
      tpu.vector_store %arg6[%swap3A_52], %swap3A_55 {strides = array<i32>} : memref<640xf32, #tpu.memory_space<vmem>>, vector<16xf32>,
    }
    %scan3A_33 = arith.constant 40 : i32
    %mul3A_34 = arith.constant 640 : i32
    %mul3A_35 = arith.muli %arg1, %mul3A_34 : i32
    "tpu.region"() ({
      %run_scoped3A = tpu.sem_alloc : memref<!tpu.dma_semaphore, #tpu.memory_space<semaphore_mem>>
      %dma_start3A = tpu.memref_slice %arg7[%mul3A_35] : memref<10240xf32, #tpu.memory_space<vmem_shared>> -> memref<640xf32, #tpu.memory_space<vmem_shared>>
      %dma_start3A_47 = tpu.memref_slice %arg7[%mul3A_35] : memref<10240xf32, #tpu.memory_space<vmem_shared>> -> memref<640xf32, #tpu.memory_space<vmem_shared>>
      tpu.enqueue_dma source(%arg6 : memref<640xf32, #tpu.memory_space<vmem>>) target(%dma_start3A_47 : memref<640xf32, #tpu.memory_space<vmem_shared>>) target_semaphore(%run_scoped3A : memref<!tpu.dma_semaphore, #tpu.memory_space<semaphore_mem>>)
      %dma_wait3A = tpu.memref_slice %arg7[%mul3A_35] : memref<10240xf32, #tpu.memory_space<vmem_shared>> -> memref<640xf32, #tpu.memory_space<vmem_shared>>
      %dma_wait3A_48 = tpu.memref_slice %arg7[%mul3A_35] : memref<10240xf32, #tpu.memory_space<vmem_shared>> -> memref<640xf32, #tpu.memory_space<vmem_shared>>
      tpu.wait_dma2 semaphore(%run_scoped3A : memref<!tpu.dma_semaphore, #tpu.memory_space<semaphore_mem>>) src(%arg6 : memref<640xf32, #tpu.memory_space<vmem>>) dst(%dma_wait3A_48 : memref<640xf32, #tpu.memory_space<vmem_shared>>)
      tpu.yield
    }) : () -> ()
    %barrier3A = arith.constant 0 : index
    tpu.barrier barrier_id(%barrier3A)
    "tpu.region"() ({
      %run_scoped3A = tpu.sem_alloc : memref<!tpu.dma_semaphore, #tpu.memory_space<semaphore_mem>>
      %dma_start3A = arith.constant 0 : i32
      %dma_start3A_47 = arith.constant 0 : i32
      %dma_start3A_48 = tpu.memref_slice %arg2[%add3A, %dma_start3A, %dma_start3A_47] : memref<32x125x80xi32, #tpu.memory_space<hbm>> -> memref<1x125x80xi32, #tpu.memory_space<hbm>>
      %dma_start3A_49 = tpu.memref_squeeze %dma_start3A_48 : memref<1x125x80xi32, #tpu.memory_space<hbm>> -> memref<125x80xi32, #tpu.memory_space<hbm>>
      %dma_start3A_50 = arith.constant 0 : i32
      %dma_start3A_51 = arith.constant 0 : i32
      %dma_start3A_52 = tpu.memref_slice %arg2[%add3A, %dma_start3A_50, %dma_start3A_51] : memref<32x125x80xi32, #tpu.memory_space<hbm>> -> memref<1x125x80xi32, #tpu.memory_space<hbm>>
      %dma_start3A_53 = tpu.memref_squeeze %dma_start3A_52 : memref<1x125x80xi32, #tpu.memory_space<hbm>> -> memref<125x80xi32, #tpu.memory_space<hbm>>
      tpu.enqueue_dma source(%dma_start3A_53 : memref<125x80xi32, #tpu.memory_space<hbm>>) target(%arg4 : memref<125x80xi32, #tpu.memory_space<vmem>>) target_semaphore(%run_scoped3A : memref<!tpu.dma_semaphore, #tpu.memory_space<semaphore_mem>>)
      %dma_wait3A = arith.constant 0 : i32
      %dma_wait3A_54 = arith.constant 0 : i32
      %dma_wait3A_55 = tpu.memref_slice %arg2[%add3A, %dma_wait3A, %dma_wait3A_54] : memref<32x125x80xi32, #tpu.memory_space<hbm>> -> memref<1x125x80xi32, #tpu.memory_space<hbm>>
      %dma_wait3A_56 = tpu.memref_squeeze %dma_wait3A_55 : memref<1x125x80xi32, #tpu.memory_space<hbm>> -> memref<125x80xi32, #tpu.memory_space<hbm>>
      %dma_wait3A_57 = arith.constant 0 : i32
      %dma_wait3A_58 = arith.constant 0 : i32
      %dma_wait3A_59 = tpu.memref_slice %arg2[%add3A, %dma_wait3A_57, %dma_wait3A_58] : memref<32x125x80xi32, #tpu.memory_space<hbm>> -> memref<1x125x80xi32, #tpu.memory_space<hbm>>
      %dma_wait3A_60 = tpu.memref_squeeze %dma_wait3A_59 : memref<1x125x80xi32, #tpu.memory_space<hbm>> -> memref<125x80xi32, #tpu.memory_space<hbm>>
      tpu.wait_dma2 semaphore(%run_scoped3A : memref<!tpu.dma_semaphore, #tpu.memory_space<semaphore_mem>>) src(%dma_wait3A_60 : memref<125x80xi32, #tpu.memory_space<hbm>>) dst(%arg4 : memref<125x80xi32, #tpu.memory_space<vmem>>)
      tpu.yield
    }) : () -> ()
    %scan3A_36 = arith.constant 0 : i32
    %scan3A_37 = arith.constant 0 : i32
    %scan3A_38 = arith.constant 125 : i32
    %scan3A_39 = arith.addi %scan3A_37, %scan3A_38 : i32
    %scan3A_40 = arith.constant 1 : i32
    scf.for %scan3A_47 = %scan3A_37 to %scan3A_39 step %scan3A_40  : i32 {
      "tpu.region"() ({
        %run_scoped3A = tpu.sem_alloc : memref<!tpu.dma_semaphore, #tpu.memory_space<semaphore_mem>>
        %dma_start3A = arith.constant 0 : i32
        %dma_start3A_48 = tpu.memref_slice %arg4[%scan3A_47, %dma_start3A] : memref<125x80xi32, #tpu.memory_space<vmem>> -> memref<1x80xi32, #tpu.memory_space<vmem>>
        %dma_start3A_49 = tpu.memref_squeeze %dma_start3A_48 : memref<1x80xi32, #tpu.memory_space<vmem>> -> memref<80xi32, #tpu.memory_space<vmem>>
        %dma_start3A_50 = arith.constant 0 : i32
        %dma_start3A_51 = tpu.memref_slice %arg7[%dma_start3A_50] : memref<10240xf32, #tpu.memory_space<vmem_shared>> -> memref<10240xf32, #tpu.memory_space<vmem_shared>>
        tpu.enqueue_indirect_dma source(%arg5 : memref<80xf32, #tpu.memory_space<vmem>>) target(%dma_start3A_51 : memref<10240xf32, #tpu.memory_space<vmem_shared>>) offsets(%dma_start3A_49 : memref<80xi32, #tpu.memory_space<vmem>>) semaphore(%run_scoped3A : memref<!tpu.dma_semaphore, #tpu.memory_space<semaphore_mem>>) {add = true}
        %dma_wait3A = arith.constant 0 : i32
        %dma_wait3A_52 = tpu.memref_slice %arg4[%scan3A_47, %dma_wait3A] : memref<125x80xi32, #tpu.memory_space<vmem>> -> memref<1x80xi32, #tpu.memory_space<vmem>>
        %dma_wait3A_53 = tpu.memref_squeeze %dma_wait3A_52 : memref<1x80xi32, #tpu.memory_space<vmem>> -> memref<80xi32, #tpu.memory_space<vmem>>
        %dma_wait3A_54 = arith.constant 0 : i32
        %dma_wait3A_55 = tpu.memref_slice %arg7[%dma_wait3A_54] : memref<10240xf32, #tpu.memory_space<vmem_shared>> -> memref<10240xf32, #tpu.memory_space<vmem_shared>>
        tpu.wait_indirect_dma semaphore(%run_scoped3A : memref<!tpu.dma_semaphore, #tpu.memory_space<semaphore_mem>>) src(%arg5 : memref<80xf32, #tpu.memory_space<vmem>>) dst(%dma_wait3A_55 : memref<10240xf32, #tpu.memory_space<vmem_shared>>)
        tpu.yield
      }) : () -> ()
    }
    %scan3A_41 = arith.constant 125 : i32
    %barrier3A_42 = arith.constant 0 : index
    tpu.barrier barrier_id(%barrier3A_42)
    %mul3A_43 = arith.constant 640 : i32
    %mul3A_44 = arith.muli %arg1, %mul3A_43 : i32
    %mul3A_45 = arith.constant 640 : i32
    %mul3A_46 = arith.muli %arg1, %mul3A_45 : i32
    "tpu.region"() ({
      %run_scoped3A = tpu.sem_alloc : memref<!tpu.dma_semaphore, #tpu.memory_space<semaphore_mem>>
      %dma_start3A = tpu.memref_slice %arg3[%arg0, %mul3A_46] : memref<2x10240xf32, #tpu.memory_space<hbm>> -> memref<1x640xf32, #tpu.memory_space<hbm>>
      %dma_start3A_47 = tpu.memref_squeeze %dma_start3A : memref<1x640xf32, #tpu.memory_space<hbm>> -> memref<640xf32, #tpu.memory_space<hbm>>
      %dma_start3A_48 = tpu.memref_slice %arg7[%mul3A_44] : memref<10240xf32, #tpu.memory_space<vmem_shared>> -> memref<640xf32, #tpu.memory_space<vmem_shared>>
      tpu.enqueue_dma source(%dma_start3A_48 : memref<640xf32, #tpu.memory_space<vmem_shared>>) target(%dma_start3A_47 : memref<640xf32, #tpu.memory_space<hbm>>) target_semaphore(%run_scoped3A : memref<!tpu.dma_semaphore, #tpu.memory_space<semaphore_mem>>)
      %dma_wait3A = tpu.memref_slice %arg3[%arg0, %mul3A_46] : memref<2x10240xf32, #tpu.memory_space<hbm>> -> memref<1x640xf32, #tpu.memory_space<hbm>>
      %dma_wait3A_49 = tpu.memref_squeeze %dma_wait3A : memref<1x640xf32, #tpu.memory_space<hbm>> -> memref<640xf32, #tpu.memory_space<hbm>>
      %dma_wait3A_50 = tpu.memref_slice %arg7[%mul3A_44] : memref<10240xf32, #tpu.memory_space<vmem_shared>> -> memref<640xf32, #tpu.memory_space<vmem_shared>>
      tpu.wait_dma2 semaphore(%run_scoped3A : memref<!tpu.dma_semaphore, #tpu.memory_space<semaphore_mem>>) src(%dma_wait3A_50 : memref<640xf32, #tpu.memory_space<vmem_shared>>) dst(%dma_wait3A_49 : memref<640xf32, #tpu.memory_space<hbm>>)
      tpu.yield
    }) : () -> ()
    return
  }
}

#map = affine_map<(d0, d1) -> (0, 0)>
#map1 = affine_map<(d0, d1) -> (0, 0, 0)>
module attributes {stable_mosaic.version = 14 : i64} {
  func.func @_agg_body(%arg0: i32, %arg1: i32, %arg2: memref<16x10000xf32, #tpu.memory_space<hbm>>, %arg3: memref<2x10x16000xi32, #tpu.memory_space<hbm>>, %arg4: memref<2x16x10240xf32, #tpu.memory_space<hbm>>, %arg5: memref<2x16000xi32, #tpu.memory_space<vmem>>, %arg6: memref<10000xf32, #tpu.memory_space<vmem>>, %arg7: memref<10240xf32, #tpu.memory_space<vmem>>, %arg8: memref<2x!tpu.dma_semaphore, #tpu.memory_space<semaphore_mem>>) attributes {dimension_semantics = [#tpu.dimension_semantics<core_parallel>, #tpu.dimension_semantics<subcore_parallel>], iteration_bounds = array<i64: 2, 16>, scalar_prefetch = 0 : i64, scratch_operands = 4 : i64, tpu.core_type = #tpu.core_type<sc_vector_subcore>, window_params = [{transform_indices = #map}, {transform_indices = #map1}, {transform_indices = #map1}]} {
    "tpu.region"() ({
      %run_scoped3A = tpu.sem_alloc : memref<!tpu.dma_semaphore, #tpu.memory_space<semaphore_mem>>
      %dma_start3A_27 = arith.constant 0 : i32
      %dma_start3A_28 = tpu.memref_slice %arg2[%arg1, %dma_start3A_27] : memref<16x10000xf32, #tpu.memory_space<hbm>> -> memref<1x10000xf32, #tpu.memory_space<hbm>>
      %dma_start3A_29 = tpu.memref_squeeze %dma_start3A_28 : memref<1x10000xf32, #tpu.memory_space<hbm>> -> memref<10000xf32, #tpu.memory_space<hbm>>
      %dma_start3A_30 = arith.constant 0 : i32
      %dma_start3A_31 = tpu.memref_slice %arg2[%arg1, %dma_start3A_30] : memref<16x10000xf32, #tpu.memory_space<hbm>> -> memref<1x10000xf32, #tpu.memory_space<hbm>>
      %dma_start3A_32 = tpu.memref_squeeze %dma_start3A_31 : memref<1x10000xf32, #tpu.memory_space<hbm>> -> memref<10000xf32, #tpu.memory_space<hbm>>
      tpu.enqueue_dma source(%dma_start3A_32 : memref<10000xf32, #tpu.memory_space<hbm>>) target(%arg6 : memref<10000xf32, #tpu.memory_space<vmem>>) target_semaphore(%run_scoped3A : memref<!tpu.dma_semaphore, #tpu.memory_space<semaphore_mem>>)
      %dma_wait3A = arith.constant 0 : i32
      %dma_wait3A_33 = tpu.memref_slice %arg2[%arg1, %dma_wait3A] : memref<16x10000xf32, #tpu.memory_space<hbm>> -> memref<1x10000xf32, #tpu.memory_space<hbm>>
      %dma_wait3A_34 = tpu.memref_squeeze %dma_wait3A_33 : memref<1x10000xf32, #tpu.memory_space<hbm>> -> memref<10000xf32, #tpu.memory_space<hbm>>
      %dma_wait3A_35 = arith.constant 0 : i32
      %dma_wait3A_36 = tpu.memref_slice %arg2[%arg1, %dma_wait3A_35] : memref<16x10000xf32, #tpu.memory_space<hbm>> -> memref<1x10000xf32, #tpu.memory_space<hbm>>
      %dma_wait3A_37 = tpu.memref_squeeze %dma_wait3A_36 : memref<1x10000xf32, #tpu.memory_space<hbm>> -> memref<10000xf32, #tpu.memory_space<hbm>>
      tpu.wait_dma2 semaphore(%run_scoped3A : memref<!tpu.dma_semaphore, #tpu.memory_space<semaphore_mem>>) src(%dma_wait3A_37 : memref<10000xf32, #tpu.memory_space<hbm>>) dst(%arg6 : memref<10000xf32, #tpu.memory_space<vmem>>)
      tpu.yield
    }) : () -> ()
    %scan3A = arith.constant 0 : i32
    %scan3A_0 = arith.constant 0 : i32
    %scan3A_1 = arith.constant 640 : i32
    %scan3A_2 = arith.addi %scan3A_0, %scan3A_1 : i32
    %scan3A_3 = arith.constant 1 : i32
    scf.for %scan3A_27 = %scan3A_0 to %scan3A_2 step %scan3A_3  : i32 {
      %broadcast_in_dim3A = arith.constant 0.000000e+00 : f32
      %broadcast_in_dim3A_28 = vector.broadcast %broadcast_in_dim3A : f32 to vector<16xf32>
      %mul3A = arith.constant 16 : i32
      %mul3A_29 = arith.muli %scan3A_27, %mul3A : i32
      %swap3A = arith.index_cast %mul3A_29 : i32 to index
      %swap3A_30 = tpu.vector_load %arg7[%swap3A] {strides = array<i32>} : memref<10240xf32, #tpu.memory_space<vmem>>, vector<16xf32>,
      tpu.vector_store %arg7[%swap3A], %broadcast_in_dim3A_28 {strides = array<i32>} : memref<10240xf32, #tpu.memory_space<vmem>>, vector<16xf32>,
    }
    %scan3A_4 = arith.constant 640 : i32
    %dma_start3A = arith.constant 0 : i32
    %dma_start3A_5 = arith.constant 0 : i32
    %dma_start3A_6 = arith.constant 0 : i32
    %dma_start3A_7 = arith.constant 0 : i32
    %dma_start3A_8 = tpu.memref_slice %arg5[%dma_start3A_5, %dma_start3A_7] : memref<2x16000xi32, #tpu.memory_space<vmem>> -> memref<1x16000xi32, #tpu.memory_space<vmem>>
    %dma_start3A_9 = tpu.memref_squeeze %dma_start3A_8 : memref<1x16000xi32, #tpu.memory_space<vmem>> -> memref<16000xi32, #tpu.memory_space<vmem>>
    %dma_start3A_10 = arith.constant 0 : i32
    %dma_start3A_11 = tpu.memref_slice %arg3[%arg0, %dma_start3A, %dma_start3A_10] : memref<2x10x16000xi32, #tpu.memory_space<hbm>> -> memref<1x1x16000xi32, #tpu.memory_space<hbm>>
    %dma_start3A_12 = tpu.memref_squeeze %dma_start3A_11 : memref<1x1x16000xi32, #tpu.memory_space<hbm>> -> memref<16000xi32, #tpu.memory_space<hbm>>
    %dma_start3A_13 = tpu.memref_slice %arg8[%dma_start3A_6] : memref<2x!tpu.dma_semaphore, #tpu.memory_space<semaphore_mem>> -> memref<1x!tpu.dma_semaphore, #tpu.memory_space<semaphore_mem>>
    %dma_start3A_14 = tpu.memref_squeeze %dma_start3A_13 : memref<1x!tpu.dma_semaphore, #tpu.memory_space<semaphore_mem>> -> memref<!tpu.dma_semaphore, #tpu.memory_space<semaphore_mem>>
    %dma_start3A_15 = arith.constant 0 : i32
    %dma_start3A_16 = tpu.memref_slice %arg5[%dma_start3A_5, %dma_start3A_15] : memref<2x16000xi32, #tpu.memory_space<vmem>> -> memref<1x16000xi32, #tpu.memory_space<vmem>>
    %dma_start3A_17 = tpu.memref_squeeze %dma_start3A_16 : memref<1x16000xi32, #tpu.memory_space<vmem>> -> memref<16000xi32, #tpu.memory_space<vmem>>
    %dma_start3A_18 = arith.constant 0 : i32
    %dma_start3A_19 = tpu.memref_slice %arg3[%arg0, %dma_start3A, %dma_start3A_18] : memref<2x10x16000xi32, #tpu.memory_space<hbm>> -> memref<1x1x16000xi32, #tpu.memory_space<hbm>>
    %dma_start3A_20 = tpu.memref_squeeze %dma_start3A_19 : memref<1x1x16000xi32, #tpu.memory_space<hbm>> -> memref<16000xi32, #tpu.memory_space<hbm>>
    tpu.enqueue_dma source(%dma_start3A_20 : memref<16000xi32, #tpu.memory_space<hbm>>) target(%dma_start3A_17 : memref<16000xi32, #tpu.memory_space<vmem>>) target_semaphore(%dma_start3A_14 : memref<!tpu.dma_semaphore, #tpu.memory_space<semaphore_mem>>)
    %scan3A_21 = arith.constant 0 : i32
    %scan3A_22 = arith.constant 0 : i32
    %scan3A_23 = arith.constant 10 : i32
    %scan3A_24 = arith.addi %scan3A_22, %scan3A_23 : i32
    %scan3A_25 = arith.constant 1 : i32
    scf.for %scan3A_27 = %scan3A_22 to %scan3A_24 step %scan3A_25  : i32 {
      %rem3A = arith.constant 2 : i32
      %rem3A_28 = arith.remsi %scan3A_27, %rem3A : i32
      %sub3A = arith.constant 1 : i32
      %sub3A_29 = arith.subi %sub3A, %rem3A_28 : i32
      %add3A = arith.constant 1 : i32
      %add3A_30 = arith.addi %scan3A_27, %add3A : i32
      %lt3A = arith.constant 10 : i32
      %lt3A_31 = arith.cmpi slt, %add3A_30, %lt3A : i32
      %convert_element_type3A = arith.extui %lt3A_31 : i1 to i32
      %cond3A = arith.constant 0 : i32
      %cond3A_32 = arith.cmpi ne, %convert_element_type3A, %cond3A : i32
      scf.if %cond3A_32 {
        %add3A_48 = arith.constant 1 : i32
        %add3A_49 = arith.addi %scan3A_27, %add3A_48 : i32
        %dma_start3A_50 = arith.constant 0 : i32
        %dma_start3A_51 = tpu.memref_slice %arg5[%sub3A_29, %dma_start3A_50] : memref<2x16000xi32, #tpu.memory_space<vmem>> -> memref<1x16000xi32, #tpu.memory_space<vmem>>
        %dma_start3A_52 = tpu.memref_squeeze %dma_start3A_51 : memref<1x16000xi32, #tpu.memory_space<vmem>> -> memref<16000xi32, #tpu.memory_space<vmem>>
        %dma_start3A_53 = arith.constant 0 : i32
        %dma_start3A_54 = tpu.memref_slice %arg3[%arg0, %add3A_49, %dma_start3A_53] : memref<2x10x16000xi32, #tpu.memory_space<hbm>> -> memref<1x1x16000xi32, #tpu.memory_space<hbm>>
        %dma_start3A_55 = tpu.memref_squeeze %dma_start3A_54 : memref<1x1x16000xi32, #tpu.memory_space<hbm>> -> memref<16000xi32, #tpu.memory_space<hbm>>
        %dma_start3A_56 = tpu.memref_slice %arg8[%sub3A_29] : memref<2x!tpu.dma_semaphore, #tpu.memory_space<semaphore_mem>> -> memref<1x!tpu.dma_semaphore, #tpu.memory_space<semaphore_mem>>
        %dma_start3A_57 = tpu.memref_squeeze %dma_start3A_56 : memref<1x!tpu.dma_semaphore, #tpu.memory_space<semaphore_mem>> -> memref<!tpu.dma_semaphore, #tpu.memory_space<semaphore_mem>>
        %dma_start3A_58 = arith.constant 0 : i32
        %dma_start3A_59 = tpu.memref_slice %arg5[%sub3A_29, %dma_start3A_58] : memref<2x16000xi32, #tpu.memory_space<vmem>> -> memref<1x16000xi32, #tpu.memory_space<vmem>>
        %dma_start3A_60 = tpu.memref_squeeze %dma_start3A_59 : memref<1x16000xi32, #tpu.memory_space<vmem>> -> memref<16000xi32, #tpu.memory_space<vmem>>
        %dma_start3A_61 = arith.constant 0 : i32
        %dma_start3A_62 = tpu.memref_slice %arg3[%arg0, %add3A_49, %dma_start3A_61] : memref<2x10x16000xi32, #tpu.memory_space<hbm>> -> memref<1x1x16000xi32, #tpu.memory_space<hbm>>
        %dma_start3A_63 = tpu.memref_squeeze %dma_start3A_62 : memref<1x1x16000xi32, #tpu.memory_space<hbm>> -> memref<16000xi32, #tpu.memory_space<hbm>>
        tpu.enqueue_dma source(%dma_start3A_63 : memref<16000xi32, #tpu.memory_space<hbm>>) target(%dma_start3A_60 : memref<16000xi32, #tpu.memory_space<vmem>>) target_semaphore(%dma_start3A_57 : memref<!tpu.dma_semaphore, #tpu.memory_space<semaphore_mem>>)
      } else {
      }
      %dma_wait3A = arith.constant 0 : i32
      %dma_wait3A_33 = tpu.memref_slice %arg5[%rem3A_28, %dma_wait3A] : memref<2x16000xi32, #tpu.memory_space<vmem>> -> memref<1x16000xi32, #tpu.memory_space<vmem>>
      %dma_wait3A_34 = tpu.memref_squeeze %dma_wait3A_33 : memref<1x16000xi32, #tpu.memory_space<vmem>> -> memref<16000xi32, #tpu.memory_space<vmem>>
      %dma_wait3A_35 = arith.constant 0 : i32
      %dma_wait3A_36 = tpu.memref_slice %arg3[%arg0, %scan3A_27, %dma_wait3A_35] : memref<2x10x16000xi32, #tpu.memory_space<hbm>> -> memref<1x1x16000xi32, #tpu.memory_space<hbm>>
      %dma_wait3A_37 = tpu.memref_squeeze %dma_wait3A_36 : memref<1x1x16000xi32, #tpu.memory_space<hbm>> -> memref<16000xi32, #tpu.memory_space<hbm>>
      %dma_wait3A_38 = tpu.memref_slice %arg8[%rem3A_28] : memref<2x!tpu.dma_semaphore, #tpu.memory_space<semaphore_mem>> -> memref<1x!tpu.dma_semaphore, #tpu.memory_space<semaphore_mem>>
      %dma_wait3A_39 = tpu.memref_squeeze %dma_wait3A_38 : memref<1x!tpu.dma_semaphore, #tpu.memory_space<semaphore_mem>> -> memref<!tpu.dma_semaphore, #tpu.memory_space<semaphore_mem>>
      %dma_wait3A_40 = arith.constant 0 : i32
      %dma_wait3A_41 = tpu.memref_slice %arg5[%rem3A_28, %dma_wait3A_40] : memref<2x16000xi32, #tpu.memory_space<vmem>> -> memref<1x16000xi32, #tpu.memory_space<vmem>>
      %dma_wait3A_42 = tpu.memref_squeeze %dma_wait3A_41 : memref<1x16000xi32, #tpu.memory_space<vmem>> -> memref<16000xi32, #tpu.memory_space<vmem>>
      %dma_wait3A_43 = arith.constant 0 : i32
      %dma_wait3A_44 = tpu.memref_slice %arg3[%arg0, %scan3A_27, %dma_wait3A_43] : memref<2x10x16000xi32, #tpu.memory_space<hbm>> -> memref<1x1x16000xi32, #tpu.memory_space<hbm>>
      %dma_wait3A_45 = tpu.memref_squeeze %dma_wait3A_44 : memref<1x1x16000xi32, #tpu.memory_space<hbm>> -> memref<16000xi32, #tpu.memory_space<hbm>>
      tpu.wait_dma2 semaphore(%dma_wait3A_39 : memref<!tpu.dma_semaphore, #tpu.memory_space<semaphore_mem>>) src(%dma_wait3A_45 : memref<16000xi32, #tpu.memory_space<hbm>>) dst(%dma_wait3A_42 : memref<16000xi32, #tpu.memory_space<vmem>>)
      %parallel_loop3A = arith.constant 0 : i32
      %parallel_loop3A_46 = arith.constant 1000 : i32
      %parallel_loop3A_47 = arith.constant 1 : i32
      scf.for %parallel_loop3A_48 = %parallel_loop3A to %parallel_loop3A_46 step %parallel_loop3A_47  : i32 {
        %parallel_loop3A_49 = arith.constant 16 : i32
        %parallel_loop3A_50 = arith.muli %parallel_loop3A_48, %parallel_loop3A_49 : i32
        %parallel_loop3A_51 = arith.index_cast %rem3A_28 : i32 to index
        %parallel_loop3A_52 = arith.index_cast %parallel_loop3A_50 : i32 to index
        %parallel_loop3A_53 = tpu.vector_load %arg5[%parallel_loop3A_51, %parallel_loop3A_52] {strides = array<i32>} : memref<2x16000xi32, #tpu.memory_space<vmem>>, vector<16xi32>,
        %parallel_loop3A_54 = arith.constant 65535 : i32
        %parallel_loop3A_55 = vector.broadcast %parallel_loop3A_54 : i32 to vector<16xi32>
        %parallel_loop3A_56 = arith.andi %parallel_loop3A_53, %parallel_loop3A_55 : vector<16xi32>
        %parallel_loop3A_57 = arith.constant 16 : i32
        %parallel_loop3A_58 = vector.broadcast %parallel_loop3A_57 : i32 to vector<16xi32>
        %parallel_loop3A_59 = arith.shrui %parallel_loop3A_53, %parallel_loop3A_58 : vector<16xi32>
        %parallel_loop3A_60 = tpu.vector_load_idx %arg6[%parallel_loop3A_56] : memref<10000xf32, #tpu.memory_space<vmem>>[vector<16xi32>], vector<16xf32>,
        tpu.vector_store_idx %arg7[%parallel_loop3A_59], %parallel_loop3A_60 {add = true} : memref<10240xf32, #tpu.memory_space<vmem>>[vector<16xi32>], vector<16xf32>,
      } {sc.loop_unroll_factor = 8 : i64, sc.parallel_access}
    }
    %scan3A_26 = arith.constant 10 : i32
    "tpu.region"() ({
      %run_scoped3A = tpu.sem_alloc : memref<!tpu.dma_semaphore, #tpu.memory_space<semaphore_mem>>
      %dma_start3A_27 = arith.constant 0 : i32
      %dma_start3A_28 = tpu.memref_slice %arg4[%arg0, %arg1, %dma_start3A_27] : memref<2x16x10240xf32, #tpu.memory_space<hbm>> -> memref<1x1x10240xf32, #tpu.memory_space<hbm>>
      %dma_start3A_29 = tpu.memref_squeeze %dma_start3A_28 : memref<1x1x10240xf32, #tpu.memory_space<hbm>> -> memref<10240xf32, #tpu.memory_space<hbm>>
      %dma_start3A_30 = arith.constant 0 : i32
      %dma_start3A_31 = tpu.memref_slice %arg4[%arg0, %arg1, %dma_start3A_30] : memref<2x16x10240xf32, #tpu.memory_space<hbm>> -> memref<1x1x10240xf32, #tpu.memory_space<hbm>>
      %dma_start3A_32 = tpu.memref_squeeze %dma_start3A_31 : memref<1x1x10240xf32, #tpu.memory_space<hbm>> -> memref<10240xf32, #tpu.memory_space<hbm>>
      tpu.enqueue_dma source(%arg7 : memref<10240xf32, #tpu.memory_space<vmem>>) target(%dma_start3A_32 : memref<10240xf32, #tpu.memory_space<hbm>>) target_semaphore(%run_scoped3A : memref<!tpu.dma_semaphore, #tpu.memory_space<semaphore_mem>>)
      %dma_wait3A = arith.constant 0 : i32
      %dma_wait3A_33 = tpu.memref_slice %arg4[%arg0, %arg1, %dma_wait3A] : memref<2x16x10240xf32, #tpu.memory_space<hbm>> -> memref<1x1x10240xf32, #tpu.memory_space<hbm>>
      %dma_wait3A_34 = tpu.memref_squeeze %dma_wait3A_33 : memref<1x1x10240xf32, #tpu.memory_space<hbm>> -> memref<10240xf32, #tpu.memory_space<hbm>>
      %dma_wait3A_35 = arith.constant 0 : i32
      %dma_wait3A_36 = tpu.memref_slice %arg4[%arg0, %arg1, %dma_wait3A_35] : memref<2x16x10240xf32, #tpu.memory_space<hbm>> -> memref<1x1x10240xf32, #tpu.memory_space<hbm>>
      %dma_wait3A_37 = tpu.memref_squeeze %dma_wait3A_36 : memref<1x1x10240xf32, #tpu.memory_space<hbm>> -> memref<10240xf32, #tpu.memory_space<hbm>>
      tpu.wait_dma2 semaphore(%run_scoped3A : memref<!tpu.dma_semaphore, #tpu.memory_space<semaphore_mem>>) src(%arg7 : memref<10240xf32, #tpu.memory_space<vmem>>) dst(%dma_wait3A_37 : memref<10240xf32, #tpu.memory_space<hbm>>)
      tpu.yield
    }) : () -> ()
    return
  }
}

module attributes {stable_mosaic.version = 14 : i64} {
  func.func @_tc1_body(%arg0: memref<10000x128xf32, #tpu.memory_space<vmem>>, %arg1: memref<128x16xf32, #tpu.memory_space<vmem>>, %arg2: memref<2x10240xf32, #tpu.memory_space<vmem>>, %arg3: memref<16x10000xf32, #tpu.memory_space<vmem>>, %arg4: memref<16x10000xf32, #tpu.memory_space<vmem>>, %arg5: memref<1x10000xf32, #tpu.memory_space<vmem>>) attributes {dimension_semantics = [], scalar_prefetch = 0 : i64, scratch_operands = 0 : i64, tpu.core_type = #tpu.core_type<tc>} {
    %get3A = arith.constant 0 : index
    %get3A_0 = arith.constant 0 : index
    %get3A_1 = vector.load %arg2[%get3A, %get3A_0] : memref<2x10240xf32, #tpu.memory_space<vmem>>, vector<1x10000xf32>
    %get3A_2 = arith.constant 1 : index
    %get3A_3 = arith.constant 0 : index
    %get3A_4 = vector.load %arg2[%get3A_2, %get3A_3] : memref<2x10240xf32, #tpu.memory_space<vmem>>, vector<1x10000xf32>
    %add3A = arith.addf %get3A_1, %get3A_4 : vector<1x10000xf32>
    %add3A_5 = arith.constant 1.000000e+00 : f32
    %add3A_6 = vector.broadcast %add3A_5 : f32 to vector<1x10000xf32>
    %add3A_7 = arith.addf %add3A, %add3A_6 : vector<1x10000xf32>
    %rsqrt3A = math.rsqrt %add3A_7 : vector<1x10000xf32>
    %get3A_8 = arith.constant 0 : index
    %get3A_9 = arith.constant 0 : index
    %get3A_10 = vector.load %arg1[%get3A_8, %get3A_9] : memref<128x16xf32, #tpu.memory_space<vmem>>, vector<128x16xf32>
    %get3A_11 = arith.constant 0 : index
    %get3A_12 = arith.constant 0 : index
    %get3A_13 = vector.load %arg0[%get3A_11, %get3A_12] : memref<10000x128xf32, #tpu.memory_space<vmem>>, vector<10000x128xf32>
    %dot_general3A = arith.constant dense<0.000000e+00> : vector<16x10000xf32>
    %dot_general3A_14 = tpu.matmul %get3A_10, %get3A_13, %dot_general3A {dimension_numbers = #tpu.dot_dimension_numbers<[0], [1], [1], [0], [0, 1, 1, 0], [], []>, precision = #tpu.contract_precision<fp32>, transpose_lhs_hint = false} : vector<128x16xf32>, vector<10000x128xf32>, vector<16x10000xf32> -> vector<16x10000xf32>
    %swap3A = arith.constant 0 : index
    %swap3A_15 = arith.constant 0 : index
    %swap3A_16 = vector.load %arg3[%swap3A, %swap3A_15] : memref<16x10000xf32, #tpu.memory_space<vmem>>, vector<16x10000xf32>
    tpu.vector_store %arg3[%swap3A, %swap3A_15], %dot_general3A_14 {strides = array<i32>} : memref<16x10000xf32, #tpu.memory_space<vmem>>, vector<16x10000xf32>,
    %mul3A = vector.broadcast %rsqrt3A : vector<1x10000xf32> to vector<16x10000xf32>
    %mul3A_17 = arith.mulf %dot_general3A_14, %mul3A : vector<16x10000xf32>
    %swap3A_18 = arith.constant 0 : index
    %swap3A_19 = arith.constant 0 : index
    %swap3A_20 = vector.load %arg4[%swap3A_18, %swap3A_19] : memref<16x10000xf32, #tpu.memory_space<vmem>>, vector<16x10000xf32>
    tpu.vector_store %arg4[%swap3A_18, %swap3A_19], %mul3A_17 {strides = array<i32>} : memref<16x10000xf32, #tpu.memory_space<vmem>>, vector<16x10000xf32>,
    %swap3A_21 = arith.constant 0 : index
    %swap3A_22 = arith.constant 0 : index
    %swap3A_23 = vector.load %arg5[%swap3A_21, %swap3A_22] : memref<1x10000xf32, #tpu.memory_space<vmem>>, vector<1x10000xf32>
    tpu.vector_store %arg5[%swap3A_21, %swap3A_22], %rsqrt3A {strides = array<i32>} : memref<1x10000xf32, #tpu.memory_space<vmem>>, vector<1x10000xf32>,
    return
  }
}

module attributes {stable_mosaic.version = 14 : i64} {
  func.func @_tc2_body(%arg0: memref<2x16x10240xf32, #tpu.memory_space<vmem>>, %arg1: memref<16x10000xf32, #tpu.memory_space<vmem>>, %arg2: memref<1x10000xf32, #tpu.memory_space<vmem>>, %arg3: memref<16x16xf32, #tpu.memory_space<vmem>>, %arg4: memref<16x1xf32, #tpu.memory_space<vmem>>, %arg5: memref<16x10000xf32, #tpu.memory_space<vmem>>, %arg6: memref<16x10000xf32, #tpu.memory_space<vmem>>) attributes {dimension_semantics = [], scalar_prefetch = 0 : i64, scratch_operands = 0 : i64, tpu.core_type = #tpu.core_type<tc>} {
    %get3A = arith.constant 0 : index
    %get3A_0 = arith.constant 0 : index
    %get3A_1 = vector.load %arg2[%get3A, %get3A_0] : memref<1x10000xf32, #tpu.memory_space<vmem>>, vector<1x10000xf32>
    %get3A_2 = arith.constant 0 : index
    %get3A_3 = arith.constant 0 : index
    %get3A_4 = arith.constant 0 : index
    %get3A_5 = vector.load %arg0[%get3A_2, %get3A_3, %get3A_4] : memref<2x16x10240xf32, #tpu.memory_space<vmem>>, vector<1x16x10000xf32>
    %get3A_6 = vector.shape_cast %get3A_5 : vector<1x16x10000xf32> to vector<16x10000xf32>
    %get3A_7 = arith.constant 1 : index
    %get3A_8 = arith.constant 0 : index
    %get3A_9 = arith.constant 0 : index
    %get3A_10 = vector.load %arg0[%get3A_7, %get3A_8, %get3A_9] : memref<2x16x10240xf32, #tpu.memory_space<vmem>>, vector<1x16x10000xf32>
    %get3A_11 = vector.shape_cast %get3A_10 : vector<1x16x10000xf32> to vector<16x10000xf32>
    %add3A = arith.addf %get3A_6, %get3A_11 : vector<16x10000xf32>
    %mul3A = vector.broadcast %get3A_1 : vector<1x10000xf32> to vector<16x10000xf32>
    %mul3A_12 = arith.mulf %mul3A, %add3A : vector<16x10000xf32>
    %mul3A_13 = arith.mulf %get3A_1, %get3A_1 : vector<1x10000xf32>
    %get3A_14 = arith.constant 0 : index
    %get3A_15 = arith.constant 0 : index
    %get3A_16 = vector.load %arg1[%get3A_14, %get3A_15] : memref<16x10000xf32, #tpu.memory_space<vmem>>, vector<16x10000xf32>
    %mul3A_17 = vector.broadcast %mul3A_13 : vector<1x10000xf32> to vector<16x10000xf32>
    %mul3A_18 = arith.mulf %mul3A_17, %get3A_16 : vector<16x10000xf32>
    %add3A_19 = arith.addf %mul3A_12, %mul3A_18 : vector<16x10000xf32>
    %get3A_20 = arith.constant 0 : index
    %get3A_21 = arith.constant 0 : index
    %get3A_22 = vector.load %arg4[%get3A_20, %get3A_21] : memref<16x1xf32, #tpu.memory_space<vmem>>, vector<16x1xf32>
    %add3A_23 = vector.broadcast %get3A_22 : vector<16x1xf32> to vector<16x10000xf32>
    %add3A_24 = arith.addf %add3A_19, %add3A_23 : vector<16x10000xf32>
    %max3A = arith.constant 0.000000e+00 : f32
    %max3A_25 = vector.broadcast %max3A : f32 to vector<16x10000xf32>
    %max3A_26 = arith.maximumf %add3A_24, %max3A_25 : vector<16x10000xf32>
    %get3A_27 = arith.constant 0 : index
    %get3A_28 = arith.constant 0 : index
    %get3A_29 = vector.load %arg3[%get3A_27, %get3A_28] : memref<16x16xf32, #tpu.memory_space<vmem>>, vector<16x16xf32>
    %dot_general3A = arith.constant dense<0.000000e+00> : vector<16x10000xf32>
    %dot_general3A_30 = tpu.matmul %get3A_29, %max3A_26, %dot_general3A {dimension_numbers = #tpu.dot_dimension_numbers<[0], [0], [1], [1], [0, 1, 1, 1], [], []>, precision = #tpu.contract_precision<fp32>, transpose_lhs_hint = false} : vector<16x16xf32>, vector<16x10000xf32>, vector<16x10000xf32> -> vector<16x10000xf32>
    %swap3A = arith.constant 0 : index
    %swap3A_31 = arith.constant 0 : index
    %swap3A_32 = vector.load %arg5[%swap3A, %swap3A_31] : memref<16x10000xf32, #tpu.memory_space<vmem>>, vector<16x10000xf32>
    tpu.vector_store %arg5[%swap3A, %swap3A_31], %dot_general3A_30 {strides = array<i32>} : memref<16x10000xf32, #tpu.memory_space<vmem>>, vector<16x10000xf32>,
    %mul3A_33 = vector.broadcast %get3A_1 : vector<1x10000xf32> to vector<16x10000xf32>
    %mul3A_34 = arith.mulf %dot_general3A_30, %mul3A_33 : vector<16x10000xf32>
    %swap3A_35 = arith.constant 0 : index
    %swap3A_36 = arith.constant 0 : index
    %swap3A_37 = vector.load %arg6[%swap3A_35, %swap3A_36] : memref<16x10000xf32, #tpu.memory_space<vmem>>, vector<16x10000xf32>
    tpu.vector_store %arg6[%swap3A_35, %swap3A_36], %mul3A_34 {strides = array<i32>} : memref<16x10000xf32, #tpu.memory_space<vmem>>, vector<16x10000xf32>,
    return
  }
}

module attributes {stable_mosaic.version = 14 : i64} {
  func.func @_tc3_body(%arg0: memref<2x16x10240xf32, #tpu.memory_space<vmem>>, %arg1: memref<16x10000xf32, #tpu.memory_space<vmem>>, %arg2: memref<1x10000xf32, #tpu.memory_space<vmem>>, %arg3: memref<16x1xf32, #tpu.memory_space<vmem>>, %arg4: memref<16x16xf32, #tpu.memory_space<vmem>>, %arg5: memref<10000x16xf32, #tpu.memory_space<vmem>>) attributes {dimension_semantics = [], scalar_prefetch = 0 : i64, scratch_operands = 0 : i64, tpu.core_type = #tpu.core_type<tc>} {
    %get3A = arith.constant 0 : index
    %get3A_0 = arith.constant 0 : index
    %get3A_1 = vector.load %arg2[%get3A, %get3A_0] : memref<1x10000xf32, #tpu.memory_space<vmem>>, vector<1x10000xf32>
    %get3A_2 = arith.constant 0 : index
    %get3A_3 = arith.constant 0 : index
    %get3A_4 = arith.constant 0 : index
    %get3A_5 = vector.load %arg0[%get3A_2, %get3A_3, %get3A_4] : memref<2x16x10240xf32, #tpu.memory_space<vmem>>, vector<1x16x10000xf32>
    %get3A_6 = vector.shape_cast %get3A_5 : vector<1x16x10000xf32> to vector<16x10000xf32>
    %get3A_7 = arith.constant 1 : index
    %get3A_8 = arith.constant 0 : index
    %get3A_9 = arith.constant 0 : index
    %get3A_10 = vector.load %arg0[%get3A_7, %get3A_8, %get3A_9] : memref<2x16x10240xf32, #tpu.memory_space<vmem>>, vector<1x16x10000xf32>
    %get3A_11 = vector.shape_cast %get3A_10 : vector<1x16x10000xf32> to vector<16x10000xf32>
    %add3A = arith.addf %get3A_6, %get3A_11 : vector<16x10000xf32>
    %mul3A = vector.broadcast %get3A_1 : vector<1x10000xf32> to vector<16x10000xf32>
    %mul3A_12 = arith.mulf %mul3A, %add3A : vector<16x10000xf32>
    %mul3A_13 = arith.mulf %get3A_1, %get3A_1 : vector<1x10000xf32>
    %get3A_14 = arith.constant 0 : index
    %get3A_15 = arith.constant 0 : index
    %get3A_16 = vector.load %arg1[%get3A_14, %get3A_15] : memref<16x10000xf32, #tpu.memory_space<vmem>>, vector<16x10000xf32>
    %mul3A_17 = vector.broadcast %mul3A_13 : vector<1x10000xf32> to vector<16x10000xf32>
    %mul3A_18 = arith.mulf %mul3A_17, %get3A_16 : vector<16x10000xf32>
    %add3A_19 = arith.addf %mul3A_12, %mul3A_18 : vector<16x10000xf32>
    %get3A_20 = arith.constant 0 : index
    %get3A_21 = arith.constant 0 : index
    %get3A_22 = vector.load %arg3[%get3A_20, %get3A_21] : memref<16x1xf32, #tpu.memory_space<vmem>>, vector<16x1xf32>
    %add3A_23 = vector.broadcast %get3A_22 : vector<16x1xf32> to vector<16x10000xf32>
    %add3A_24 = arith.addf %add3A_19, %add3A_23 : vector<16x10000xf32>
    %reduce_max3A = arith.constant dense<0xFF800000> : vector<10000xf32>
    %reduce_max3A_25 = vector.multi_reduction <maximumf>, %add3A_24, %reduce_max3A [0] : vector<16x10000xf32> to vector<10000xf32>
    %broadcast_in_dim3A = vector.shape_cast %reduce_max3A_25 : vector<10000xf32> to vector<1x10000xf32>
    %sub3A = vector.broadcast %broadcast_in_dim3A : vector<1x10000xf32> to vector<16x10000xf32>
    %sub3A_26 = arith.subf %add3A_24, %sub3A : vector<16x10000xf32>
    %exp3A = math.exp %sub3A_26 : vector<16x10000xf32>
    %reduce_sum3A = arith.constant dense<0.000000e+00> : vector<10000xf32>
    %reduce_sum3A_27 = vector.multi_reduction <add>, %exp3A, %reduce_sum3A [0] : vector<16x10000xf32> to vector<10000xf32>
    %broadcast_in_dim3A_28 = vector.shape_cast %reduce_sum3A_27 : vector<10000xf32> to vector<1x10000xf32>
    %sub3A_29 = vector.broadcast %broadcast_in_dim3A : vector<1x10000xf32> to vector<16x10000xf32>
    %sub3A_30 = arith.subf %add3A_24, %sub3A_29 : vector<16x10000xf32>
    %log3A = math.log %broadcast_in_dim3A_28 : vector<1x10000xf32>
    %sub3A_31 = vector.broadcast %log3A : vector<1x10000xf32> to vector<16x10000xf32>
    %sub3A_32 = arith.subf %sub3A_30, %sub3A_31 : vector<16x10000xf32>
    %get3A_33 = arith.constant 0 : index
    %get3A_34 = arith.constant 0 : index
    %get3A_35 = vector.load %arg4[%get3A_33, %get3A_34] : memref<16x16xf32, #tpu.memory_space<vmem>>, vector<16x16xf32>
    %dot_general3A = arith.constant dense<0.000000e+00> : vector<10000x16xf32>
    %dot_general3A_36 = tpu.matmul %sub3A_32, %get3A_35, %dot_general3A {dimension_numbers = #tpu.dot_dimension_numbers<[0], [0], [1], [1], [0, 1, 1, 1], [], []>, precision = #tpu.contract_precision<fp32>, transpose_lhs_hint = false} : vector<16x10000xf32>, vector<16x16xf32>, vector<10000x16xf32> -> vector<10000x16xf32>
    %swap3A = arith.constant 0 : index
    %swap3A_37 = arith.constant 0 : index
    %swap3A_38 = vector.load %arg5[%swap3A, %swap3A_37] : memref<10000x16xf32, #tpu.memory_space<vmem>>, vector<10000x16xf32>
    tpu.vector_store %arg5[%swap3A, %swap3A_37], %dot_general3A_36 {strides = array<i32>} : memref<10000x16xf32, #tpu.memory_space<vmem>>, vector<10000x16xf32>,
    return
  }
}

</mosaic_0001>

<sc_bundles>
// kernel: kernel.11.cloned.1.call-start
scs
__scs_entry_jumppad:
0x0: {  	(pc) =	sbr.rel $0x88, $3  }
0x1: {  	(tag) =	ssettag $0x0;
	lr =	simm.s32 $0x1  }
0x2: {  	[smem:$0x3F9B] =	sst lr;
	_ =	strace $0xD0000000  }
0x3: {  	_ = 	snop  }
0x4: {  	_ = 	snop  }
0x5: {  	_ = 	snop  }
0x6: {  	_ = 	snop  }
0x7: {  	_ = 	snop  }
__scs_overlays_trampoline_lowered:
0x8: {  	[smem:$0x3FAA] =	sst s0  }
0x9: {  	[smem:$0x3FAB] =	sst s1  }
0xa: {  	[smem:$0x3FAC] =	sst s2  }
0xb: {  	[smem:$0x3FAD] =	sst s3  }
0xc: {  	[smem:$0x3FAE] =	sst s4  }
0xd: {  	[smem:$0x3FAF] =	sst s5  }
0xe: {  	[smem:$0x3FB0] =	sst s6  }
0xf: {  	[smem:$0x3FB1] =	sst s7  }
0x10: {  	[smem:$0x3FB2] =	sst s8  }
0x11: {  	[smem:$0x3FB3] =	sst s9;
	s0 =	simm.s32 @!p0 $0x0  }
0x12: {  	s1 =	sld [smem:$0x3F99];
	s0 =	simm.s32 @p0 $0x1  }
0x13: {  	[smem:$0x3FB4] =	sst s0;
	s0 =	simm.s32 @!p1 $0x0  }
0x14: {  	s2 =	sld [smem:$0x3F98];
	s0 =	simm.s32 @p1 $0x1  }
0x15: {  	[smem:$0x3FB5] =	sst s0;
	s0 =	simm.s32 @!p2 $0x0  }
0x16: {  	s3 =	sld [smem:$0x3FDB];
	s0 =	simm.s32 @p2 $0x1  }
0x17: {  	s4 =	simm.s32 $0x1BF5;
	[smem:$0x3FB7] =	sst s0  }
0x18: {  	s0 =	sld [smem:$0x3F9A];
	_ =	swait.ge [sflag:s4], $0x0  }
0x19: {  	s7 =	sld [smem:$0x3F9B]  }
0x1a: {  	s8 =	sadd.s32 $0xFFFFE003, lr  }
0x1b: {  	s9 =	sadd.s32 $0xFFFFFEF7, lr;
	s5 =	simm.s32 $0xFFFFFFFF;
	p2 =	slt.u32 s8, $0xFFFFF086  }
0x1c: {  	p1 =	slt.u32 s9, $0xF7A;
	s5 =	simm.s32 @!p2 $0x0  }
0x1d: {  	s5 =	simm.s32 @p1 $0x1;
	p0 =	seq.s32 s7, s2  }
0x1e: {  	s7 =	smul.u32 @!p0 $0xF7A, s2;
	p2 =	seq.s32 @!p0 s5, $0x0  }
0x1f: {  	s9 =	smul.u32 $0xF7A, s1;
	s8 =	simm.s32 @!p0 $0x1BF5;
	p2 =	por !p2, p0  }
0x20: {  	[sflag:s8] =	ssyncset.s32 @!p0 $0xFFFFF086;
	s6 =	sadd.s32 @!p0 s3, s7;
	s7 =	simm.s32 @!p0 $0x108  }
0x21: {  	s3 =	sadd.s32 s3, s9;
	s6 =	sadd.s32 @!p0 $0x88, s6;
	s7 =	simm.s32 @p2 $0x1082  }
0x22: {  	[simem:s7], [sflag:s8] =	dma.local @!p0 [hbm:s6], $0xF7A  }
0x23: {  	s9 =	sor.u32 $0xD0000000, s2;
	s6 =	simm.s32 $0x108;
	_ =	swait.ge @!p0 [sflag:s8], $0x0  }
0x24: {  	s3 =	sadd.s32 $0x88, s3;
	s6 =	simm.s32 @!p1 $0x1082;
	[sflag:s4] =	ssyncset.s32 $0xFFFFF086  }
0x25: {  	[simem:s6], [sflag:s4] =	dma.local [hbm:s3], $0xF7A  }
0x26: {  	[smem:$0x3F9B] =	sst s1;
	(tag) =	ssettag s2;
	_ =	strace s9  }
0x27: {  	s1 =	sld [smem:$0x3FAB]  }
0x28: {  	s2 =	sld [smem:$0x3FAC]  }
0x29: {  	s4 =	sld [smem:$0x3FAE]  }
0x2a: {  	p0 =	seq.s32 s5, $0x0;
	s5 =	sld [smem:$0x3FAF]  }
0x2b: {  	s6 =	sld [smem:$0x3FB0]  }
0x2c: {  	s7 =	sld [smem:$0x3FB1]  }
0x2d: {  	s3 =	simm.s32 $0x108;
	s8 =	sld [smem:$0x3FB2]  }
0x2e: {  	s3 =	simm.s32 @!p0 $0x1082;
	s9 =	sld [smem:$0x3FB3]  }
0x2f: {  	lr =	sadd.s32 s0, s3;
	s0 =	sld [smem:$0x3FAA]  }
0x30: {  	s3 =	sld [smem:$0x3FAD]  }
0x31: {  	[smem:$0x3FB6] =	sst s10  }
0x32: {  	s10 =	sld [smem:$0x3FB4];
	_ =	sdelay $0x3  }
0x33: {  	p0 =	seq.s32 s10, $0x1;
	s10 =	sld [smem:$0x3FB6];
	_ =	sdelay $0x3  }
0x34: {  	[smem:$0x3FB6] =	sst s10  }
0x35: {  	s10 =	sld [smem:$0x3FB5];
	_ =	sdelay $0x3  }
0x36: {  	p1 =	seq.s32 s10, $0x1;
	s10 =	sld [smem:$0x3FB6];
	_ =	sdelay $0x3  }
0x37: {  	[smem:$0x3FB6] =	sst s10  }
0x38: {  	s10 =	sld [smem:$0x3FB7]  }
0x39: {  	_ = 	snop;
	(pc) =	sbr.ind lr, $3  }
0x3a: {  	_ = 	snop  }
0x3b: {  	_ = 	snop  }
0x3c: {  	p2 =	seq.s32 s10, $0x1;
	s10 =	sld [smem:$0x3FB6]  }
0x3d: {  	_ =	shalt  }
0x3e: {  	_ =	shalt  }
0x3f: {  	_ =	shalt  }
0x40: {  	_ =	shalt  }
0x41: {  	_ =	shalt  }
0x42: {  	_ =	shalt  }
0x43: {  	_ =	shalt  }
0x44: {  	_ =	shalt  }
0x45: {  	_ =	shalt  }
0x46: {  	_ =	shalt  }
0x47: {  	_ =	shalt  }
0x48: {  	_ =	shalt  }
0x49: {  	_ =	shalt  }
0x4a: {  	_ =	shalt  }
0x4b: {  	_ =	shalt  }
0x4c: {  	_ =	shalt  }
0x4d: {  	_ =	shalt  }
0x4e: {  	_ =	shalt  }
0x4f: {  	_ =	shalt  }
0x50: {  	_ =	shalt  }
0x51: {  	_ =	shalt  }
0x52: {  	_ =	shalt  }
0x53: {  	_ =	shalt  }
0x54: {  	_ =	shalt  }
0x55: {  	_ =	shalt  }
0x56: {  	_ =	shalt  }
0x57: {  	_ =	shalt  }
0x58: {  	_ =	shalt  }
0x59: {  	_ =	shalt  }
0x5a: {  	_ =	shalt  }
0x5b: {  	_ =	shalt  }
0x5c: {  	_ =	shalt  }
0x5d: {  	_ =	shalt  }
0x5e: {  	_ =	shalt  }
0x5f: {  	_ =	shalt  }
0x60: {  	_ =	shalt  }
0x61: {  	_ =	shalt  }
0x62: {  	_ =	shalt  }
0x63: {  	_ =	shalt  }
0x64: {  	_ =	shalt  }
0x65: {  	_ =	shalt  }
0x66: {  	_ =	shalt  }
0x67: {  	_ =	shalt  }
0x68: {  	_ =	shalt  }
0x69: {  	_ =	shalt  }
0x6a: {  	_ =	shalt  }
0x6b: {  	_ =	shalt  }
0x6c: {  	_ =	shalt  }
0x6d: {  	_ =	shalt  }
0x6e: {  	_ =	shalt  }
0x6f: {  	_ =	shalt  }
0x70: {  	_ =	shalt  }
0x71: {  	_ =	shalt  }
0x72: {  	_ =	shalt  }
0x73: {  	_ =	shalt  }
0x74: {  	_ =	shalt  }
0x75: {  	_ =	shalt  }
0x76: {  	_ =	shalt  }
0x77: {  	_ =	shalt  }
0x78: {  	_ =	shalt  }
0x79: {  	_ =	shalt  }
0x7a: {  	_ =	shalt  }
0x7b: {  	_ =	shalt  }
0x7c: {  	_ =	shalt  }
0x7d: {  	_ =	shalt  }
0x7e: {  	_ =	shalt  }
0x7f: {  	_ =	shalt  }
0x80: {  	_ =	shalt  }
0x81: {  	_ =	shalt  }
0x82: {  	_ =	shalt  }
0x83: {  	_ =	shalt  }
0x84: {  	_ =	shalt  }
0x85: {  	_ =	shalt  }
0x86: {  	_ =	shalt  }
0x87: {  	_ =	shalt  }
.Lfunc_end0:
.L_simem_size_0:
called_computation.1_lowered:
.L_overlay_start_0:
0x88: {  	s2 =	sld [smem:$0x3FD9]  }
0x89: {  	s3 =	sld [smem:$0x3FFE];
	_ =	sdelay $0x1  }
0x8a: {  	s1 =	srdreg.scid  }
0x8b: {  	s0 =	sand.u32 $0x1, s1  }
0x8c: {  	s17 =	sshll.u32 s0, $0xA;
	s2 =	sadd.s32 s3, s2  }
0x8d: {  	s2 =	sadd.s32 s2, s17  }
0x8e: {  	[smem:$0x3FC2] =	sst s2  }
0x8f: {  	_ = 	snop  }
0x90: {  	s2 =	sld [smem:$0x3FD0];
	(tm) =	ssettm $0x1  }
0x91: {  	s18 =	sld [smem:$0x3FFB];
	_ =	sdelay $0x3  }
0x92: {  	_ =	strace s18  }
0x93: {  	s3 =	sld [smem:$0x3FFC];
	_ =	sdelay $0x3  }
0x94: {  	_ =	strace s3  }
0x95: {  	s3 =	sld [smem:$0x3FFD];
	_ =	sdelay $0x3  }
0x96: {  	_ =	strace s3  }
0x97: {  	_ =	strace $0x8FFFFFFF  }
0x98: {  	s19 =	sld [smem:$0x3FDB];
	_ =	sdelay $0x1  }
0x99: {  	s4 =	simm.s32 $_scs_section_size  }
0x9a: {  	s5 =	simm.s32 $_size__tile_overlayer_lowered;
	s6 =	simm.s32 $_tile_overlayer_lowered  }
0x9b: {  	s22 =	simm.s32 $0x1BFF;
	s21 =	sshll.u32 s6, $0x1;
	s3 =	sadd.s32 s4, s19  }
0x9c: {  	s7 =	simm.s32 $0x0;
	s20 =	sshll.u32 s5, $0x1;
	s5 =	sadd.s32 s21, s3  }
0x9d: {  	[timem:s7], [sflag:s22] =	dma.local [hbm:s5], s20  }
0x9e: {  	_ =	swait.ge [sflag:s22], s20  }
0x9f: {  	s4 =	ssub.s32 $0x0, s20;
	[sflag:s22] =	ssyncset.done $0x0  }
0xa0: {  	[sflag:s22] =	ssyncadd.s32 s4;
	_ =	sdelay $0x1  }
0xa1: {  	s23 =	simm.s32 $0x1B8B  }
0xa2: {  	_ =	swait.ge [sflag:s23], $0x1  }
0xa3: {  	[sflag:s23] =	ssyncset.done $0x0  }
0xa4: {  	s25 =	simm.s32 $0x1B8E;
	s24 =	sld [smem:$0x3FFE];
	[sflag:s23] =	ssyncadd.s32 $0xFFFFFFFF  }
0xa5: {  	s26 =	simm.s32 $execute0_lowered;
	[smem:$0x3FD2] =	sst s25  }
0xa6: {  	s5 =	sshll.u32 s26, $0x1;
	_ =	strace $0x80000049;
	[dreg:$0x1] =	wrdreg $0xFFFFFFFF  }
0xa7: {  	s28 =	simm.s32 $_size_execute0_lowered;
	s3 =	sadd.s32 s3, s5;
	[dreg:$0x0] =	wrdreg $0x0  }
0xa8: {  	s5 =	sshll.u32 s28, $0x1;
	[dreg:$0x2] =	wrdreg s3  }
0xa9: {  	[dreg:$0x3] =	wrdreg s5  }
0xaa: {  	[dreg:$0x4] =	wrdreg $0xC0  }
0xab: {  	_ =	task [dreg:s7], $0x5FFFF  }
0xac: {  	[dreg:$0x1] =	wrdreg $0xFFFFFFFF  }
0xad: {  	[dreg:$0x0] =	wrdreg $0x60  }
0xae: {  	[dreg:$0x2] =	wrdreg s2  }
0xaf: {  	[dreg:$0x3] =	wrdreg s24  }
0xb0: {  	[dreg:$0x4] =	wrdreg $0x9  }
0xb1: {  	_ =	task.clear_ibuf [dreg:s7], $0x5FFFF;
	_ =	strace $0x90000049  }
0xb2: {  	s29 =	simm.s32 $0x9;
	_ =	strace $0x8000004B  }
0xb3: {  	_ =	swait.ge [sflag:s29], $0x1  }
0xb4: {  	[sflag:s29] =	ssyncadd.s32 $0xFFFFFFFF  }
0xb5: {  	_ =	strace $0x9000004B  }
0xb6: {  	_ =	sfence  }
0xb7: {  	s30 =	sld [smem:$0x0];
	_ =	sdelay $0x2  }
0xb8: {  	s31 =	sshll.u32 s1, $0xD;
	s1 =	sshrl.u32 s1, $0x2  }
0xb9: {  	s3 =	sand.u32 $0x4000, s31;
	s1 =	sadd.s32 s1, s30  }
0xba: {  	s0 =	sor.u32 s3, s0;
	s1 =	sshll.u32 s1, $0x11  }
0xbb: {  	s0 =	sor.u32 s1, s0  }
0xbc: {  	s0 =	sadd.s32 $0x8F2B, s0  }
0xbd: {  	[sflag:s0] =	ssyncadd.remote.s32 $0x1  }
0xbe: {  	_ =	sfence.sel $0xFFFF  }
0xbf: {  	[dreg:$0x0] =	wrdreg $0xFFFFFFFF;
	(pc) =	sbr.abs _section_cstart, $3  }
0xc0: {  	[dreg:$0x1] =	wrdreg $0xFFFFFFFF  }
0xc1: {  	_ =	task.clear_ibuf [dreg:s7], $0x2FFFF;
	_ =	strace $0x9FFFFFFF  }
0xc2: {  	(tm) =	ssettm $0x7FFFFFFF  }
0xc3: {  	_ =	shalt  }
tec
execute0_lowered:
.L_overlay_start_1:
0x0: {  	(tag) =	ssettag $0x1  }
0x1: {  	s5 =	rddreg [dreg:$0x0]  }
0x2: {  	s6 =	rddreg [dreg:$0x1];
	s1 =	srdreg.scid  }
0x3: {  	s0 =	rddreg [dreg:$0x2];
	s7 =	sand.u32 $0x1, s1  }
0x4: {  	s2 =	simm.s32 $0x0;
	s1 =	stileid.u32;
	s4 =	smul.u32 $0x28000, s7  }
0x5: {  	s12 =	simm.s32 $0x0;
	[smem:$0x7FF] =	sst s2;
	s8 =	smul.u32 $0x2800, s1  }
0x6: {  	s3 =	sadd.s32 $0xB600, s6;
	_ =	strace $0x8000004A;
	s9 =	smul.u32 $0x4E2, s1  }
0x7: {  	s8 =	sadd.s32 s8, s4;
	s4 =	smul.u32 $0x27100, s7;
	s7 =	ssub.s32 $0x2, s7  }
0x8: {  	s5 =	sadd.s32 s5, s9;
	s9 =	simm.s32 $0x7D00;
	s8 =	sshrl.u32 s8, $0x3  }
0x9: {  	s31 =	sshrl.u32 s7, $0x1;
	s8 =	sadd.s32 s8, s6;
	s10 =	sshrl.u32 s4, $0x3  }
0xa: {  	s11 =	ssub.s32 s7, s31;
	s6 =	sadd.s32 s3, s10;
	s7 =	sadd.s32 $0x15400, s8  }
0xb: {  	v0 =	vimm.f32 $0.0e+00;
	s8 =	smax.u32 s11, $0x1;
	s10 =	simm.s32 $0x3;
	s11 =	simm.s32 $0xA410  }
.LBB2_1:
0xc: {  	[tilespmem:s9], [sflag:$0x3] =	stream.linear.gather [hbm4b:s5+s2], $0x2710, $0x38;
	[tilespmem:$0xCC10] =	vst v63  }
0xd: {  	_ =	swait.ge [sflag:s10], $0x2710  }
0xe: {  	[sflag:s10] =	ssyncset.done $0x0  }
0xf: {  	s13 =	simm.s32 $0x40;
	s14 =	simm.s32 $0x0;
	[sflag:s10] =	ssyncadd.s32 $0xFFFFD8F0  }
.LBB2_2:
0x10: {  	p0 =	sne.s32 s13, $0x9FC0;
	[tilespmem:s14+$0xA410] =	vst v0;
	s14 =	smov.u32 s13;
	s13 =	sadd.s32 $0x40, s13  }
.Ltmp0:
0x11: {  	(pc) =	sbr.rel @p0 .LBB2_2-.Ltmp0, $2  }
0x12: {  	_ =	sdelay $0x2  }
0x13: {  	s14 =	sshra.s32 s14, $0x2  }
0x14: {  	[tilespmem:s14+$0xA410] =	vst v0;
	s13 =	simm.s32 $0x0;
	p0 =	por $0x0, $0x0  }
0x15: {  	[tilespmem:s13], [sflag:$0x1] =	stream.linear.gather [hbm4b:s6+s13], $0x3E80, $0x38;
	[tilespmem:$0xCC10] =	vst v63  }
.LBB2_5:
0x16: {  	s14 =	smov.u32 s13  }
0x17: {  	s15 =	sand.u32 $0x1, s13;
	s13 =	sadd.s32 $0x1, s13;
	p1 =	seq.s32 s14, $0x9  }
0x18: {  	s18 =	simm.s32 $0x1;
	s14 =	smul.u32 @!p1 $0x3E80, s13  }
0x19: {  	s18 =	simm.s32 @!p0 $0x0;
	s16 =	sxor.u32 @!p1 $0x1, s15  }
0x1a: {  	s19 =	simm.s32 @!p1 $0x0;
	s17 =	smul.u32 @!p1 $0xFA00, s16;
	s14 =	sadd.s32 @!p1 s4, s14  }
0x1b: {  	s30 =	smul.u32 $0xFA00, s18;
	s15 =	sadd.s32 $0x1, s15;
	s14 =	sshrl.u32 @!p1 s14, $0x3  }
0x1c: {  	s16 =	sadd.s32 @!p1 $0x1, s16;
	s17 =	sshrl.u32 @!p1 s17, $0x2;
	s14 =	sadd.s32 @!p1 s3, s14  }
0x1d: {  	[tilespmem:s17], [sflag:s16] =	stream.linear.gather @!p1 [hbm4b:s14+s19], $0x3E80, $0x38;
	[tilespmem:$0xCC10] =	vst v63  }
0x1e: {  	_ =	swait.ge [sflag:s15], $0x3E80  }
0x1f: {  	s14 =	sshrl.u32 s30, $0x2;
	[sflag:s15] =	ssyncset.done $0x0  }
0x20: {  	s31 =	sor.u32 $0x40, s14;
	[sflag:s15] =	ssyncadd.s32 $0xFFFFC180  }
0x21: {  	v1 =	vld [tilespmem:s31+$0x30]  }
0x22: {  	v2 =	vld [tilespmem:s31+$0xFFFFFFD0]  }
0x23: {  	v3 =	vld [tilespmem:s31+$0xFFFFFFE0]  }
0x24: {  	v4 =	vld [tilespmem:s31+$0xFFFFFFF0]  }
0x25: {  	v5 =	vld [tilespmem:s31+$0x0]  }
0x26: {  	v6 =	vld [tilespmem:s31+$0x10];
	v7 =	vand.u32 $0xFFFF, v1  }
0x27: {  	v11 =	vld [tilespmem:s31+$0x20];
	v8 =	vand.u32 $0xFFFF, v2  }
0x28: {  	v10 =	vand.u32 $0xFFFF, v3  }
0x29: {  	v9 =	vld [tilespmem:s31+$0xFFFFFFC0];
	v12 =	vand.u32 $0xFFFF, v4  }
0x2a: {  	v13 =	vand.u32 $0xFFFF, v5  }
0x2b: {  	v14 =	vand.u32 $0xFFFF, v6;
	v7 =	vld.idx.msk [tilespmem:v7+s9+$0x0], $0xffff  }
0x2c: {  	v16 =	vand.u32 $0xFFFF, v11;
	v8 =	vld.idx.msk [tilespmem:v8+s9+$0x0], $0xffff  }
0x2d: {  	v1 =	vshrl.u32 v1, $0x10;
	v10 =	vld.idx.msk [tilespmem:v10+s9+$0x0], $0xffff  }
0x2e: {  	v15 =	vand.u32 $0xFFFF, v9;
	v12 =	vld.idx.msk [tilespmem:v12+s9+$0x0], $0xffff  }
0x2f: {  	v2 =	vshrl.u32 v2, $0x10;
	v13 =	vld.idx.msk [tilespmem:v13+s9+$0x0], $0xffff  }
0x30: {  	v17 =	vshrl.u32 v3, $0x10;
	v3 =	vld.idx.msk [tilespmem:v14+s9+$0x0], $0xffff  }
0x31: {  	v63 =	vshrl.u32 v4, $0x10;
	v4 =	vld.idx.msk [tilespmem:v16+s9+$0x0], $0xffff  }
0x32: {  	[tilespmem:v1+s11+$0x0] =	vst.idx.add.f32.msk $0xffff, v7;
	v1 =	vshrl.u32 v5, $0x10  }
0x33: {  	v5 =	vld.idx.msk [tilespmem:v15+s9+$0x0], $0xffff;
	v7 =	vshrl.u32 v9, $0x10  }
0x34: {  	[tilespmem:v2+s11+$0x0] =	vst.idx.add.f32.msk $0xffff, v8  }
0x35: {  	[tilespmem:v17+s11+$0x0] =	vst.idx.add.f32.msk $0xffff, v10  }
0x36: {  	[tilespmem:v63+s11+$0x0] =	vst.idx.add.f32.msk $0xffff, v12  }
0x37: {  	[tilespmem:v1+s11+$0x0] =	vst.idx.add.f32.msk $0xffff, v13  }
0x38: {  	s14 =	simm.s32 $0x0;
	s15 =	sadd.s32 $0x80, s31;
	v2 =	vshrl.u32 v11, $0x10;
	v1 =	vshrl.u32 v6, $0x10;
	[tilespmem:v7+s11+$0x0] =	vst.idx.add.f32.msk $0xffff, v5  }
.LBB2_6:
0x39: {  	v5 =	vld [tilespmem:s15+$0x30];
	s14 =	sadd.s32 $0x8, s14  }
0x3a: {  	v6 =	vld [tilespmem:s15+$0xFFFFFFD0];
	p1 =	slt.u32 s14, $0x3E0  }
0x3b: {  	v7 =	vld [tilespmem:s15+$0xFFFFFFE0]  }
0x3c: {  	v8 =	vld [tilespmem:s15+$0xFFFFFFF0]  }
0x3d: {  	v9 =	vld [tilespmem:s15+$0x0]  }
0x3e: {  	v10 =	vld [tilespmem:s15+$0x10];
	v11 =	vand.u32 $0xFFFF, v5  }
0x3f: {  	v12 =	vshrl.u32 v6, $0x10;
	v6 =	vand.u32 $0xFFFF, v6;
	v13 =	vld [tilespmem:s15+$0x20]  }
0x40: {  	v14 =	vld [tilespmem:s15+$0xFFFFFFC0];
	v15 =	vshrl.u32 v7, $0x10;
	v7 =	vand.u32 $0xFFFF, v7  }
0x41: {  	v16 =	vshrl.u32 v8, $0x10;
	v8 =	vand.u32 $0xFFFF, v8;
	[tilespmem:v1+s11+$0x0] =	vst.idx.add.f32.msk $0xffff, v3  }
0x42: {  	v17 =	vshrl.u32 v9, $0x10;
	v3 =	vand.u32 $0xFFFF, v9;
	[tilespmem:v2+s11+$0x0] =	vst.idx.add.f32.msk $0xffff, v4  }
0x43: {  	v1 =	vshrl.u32 v10, $0x10;
	v4 =	vand.u32 $0xFFFF, v10;
	v9 =	vld.idx.msk [tilespmem:v11+s9+$0x0], $0xffff  }
0x44: {  	v5 =	vshrl.u32 v5, $0x10;
	v6 =	vld.idx.msk [tilespmem:v6+s9+$0x0], $0xffff;
	v2 =	vshrl.u32 v13, $0x10;
	v10 =	vand.u32 $0xFFFF, v13  }
0x45: {  	v11 =	vshrl.u32 v14, $0x10;
	v13 =	vand.u32 $0xFFFF, v14;
	v7 =	vld.idx.msk [tilespmem:v7+s9+$0x0], $0xffff  }
0x46: {  	v8 =	vld.idx.msk [tilespmem:v8+s9+$0x0], $0xffff  }
0x47: {  	v14 =	vld.idx.msk [tilespmem:v3+s9+$0x0], $0xffff  }
0x48: {  	v3 =	vld.idx.msk [tilespmem:v4+s9+$0x0], $0xffff  }
0x49: {  	[tilespmem:v5+s11+$0x0] =	vst.idx.add.f32.msk $0xffff, v9  }
0x4a: {  	v5 =	vld.idx.msk [tilespmem:v13+s9+$0x0], $0xffff  }
0x4b: {  	v4 =	vld.idx.msk [tilespmem:v10+s9+$0x0], $0xffff  }
.Ltmp1:
0x4c: {  	[tilespmem:v12+s11+$0x0] =	vst.idx.add.f32.msk $0xffff, v6;
	(pc) =	sbr.rel @p1 .LBB2_6-.Ltmp1, $4  }
0x4d: {  	[tilespmem:v15+s11+$0x0] =	vst.idx.add.f32.msk $0xffff, v7  }
0x4e: {  	[tilespmem:v16+s11+$0x0] =	vst.idx.add.f32.msk $0xffff, v8  }
0x4f: {  	[tilespmem:v17+s11+$0x0] =	vst.idx.add.f32.msk $0xffff, v14  }
0x50: {  	s15 =	sadd.s32 $0x80, s15;
	[tilespmem:v11+s11+$0x0] =	vst.idx.add.f32.msk $0xffff, v5  }
0x51: {  	_ =	sdelay $0x3  }
0x52: {  	[tilespmem:v1+s11+$0x0] =	vst.idx.add.f32.msk $0xffff, v3  }
0x53: {  	[tilespmem:v2+s11+$0x0] =	vst.idx.add.f32.msk $0xffff, v4  }
0x54: {  	p1 =	seq.s32 s13, $0xA  }
.Ltmp2:
0x55: {  	_ = 	snop;
	(pc) =	sbr.rel @!p1 .LBB2_5-.Ltmp2, $2  }
0x56: {  	_ =	sdelay $0x2  }
0x57: {  	p0 =	por !p0, !p0  }
0x58: {  	s12 =	sadd.s32 $0x1, s12  }
0x59: {  	p0 =	sne.s32 s12, s8  }
.Ltmp3:
0x5a: {  	_ = 	snop;
	(pc) =	sbr.rel @p0 .LBB2_1-.Ltmp3, $4  }
0x5b: {  	[hbm4b:s7+s2] =	stream.linear.scatter [tilespmem:s11], [sflag:$0x3], $0x2800, $0x38;
	[tilespmem:$0xCC10] =	vst v63  }
0x5c: {  	_ =	swait.ge [sflag:s10], $0x2800  }
0x5d: {  	[sflag:s10] =	ssyncset.done $0x0  }
0x5e: {  	[sflag:s10] =	ssyncadd.s32 $0xFFFFD800  }
0x5f: {  	_ =	sfence.sel $0x180000  }
0x60: {  	[bflag:$0x0] =	sbarrier.arrive $0xFFFF  }
0x61: {  	p0 =	sne.s32 s1, $0x0;
	_ =	strace $0x9000004A  }
0x62: {  	s0 =	sadd.s32 @!p0 $0x100000, s0;
	[bflag:$0x2] =	sbarrier.arrive $0xFFFF  }
0x63: {  	[sflag:s0] =	ssyncadd.tile.s32 @!p0 $0x1;
	_ =	shalt  }
.Lfunc_end2:
_tile_overlayer_lowered:
.L_overlay_start_2:
0x64: {  	(tag) =	ssettag $0x2  }
0x65: {  	s0 =	rddreg [dreg:$0x0];
	s2 =	stileid.u32  }
0x66: {  	s1 =	rddreg [dreg:$0x1];
	p0 =	sne.s32 s2, $0x0  }
0x67: {  	s3 =	rddreg [dreg:$0x2];
	[bflag:$0x3] =	sbarrier.arrive $0xFFFF;
	s2 =	simm.s32 @!p0 $0x1C03  }
0x68: {  	[timem:s3], [sflag:s2] =	dma.local @!p0 [hbm:s0], s1  }
0x69: {  	s0 =	simm.s32 @!p0 $0x3  }
0x6a: {  	_ =	swait.ge @!p0 [sflag:s0], s1  }
0x6b: {  	s1 =	ssub.s32 @!p0 $0x0, s1;
	[sflag:s0] =	ssyncset.done @!p0 $0x0  }
0x6c: {  	[sflag:s0] =	ssyncadd.s32 @!p0 s1  }
0x6d: {  	[bflag:$0x3] =	sbarrier.arrive $0xFFFF  }
0x6e: {  	_ =	shalt  }

// kernel: kernel.14.cloned.1.call-start
scs
__scs_entry_jumppad:
0x0: {  	(pc) =	sbr.rel $0x88, $3  }
0x1: {  	(tag) =	ssettag $0x0;
	lr =	simm.s32 $0x1  }
0x2: {  	[smem:$0x3F9B] =	sst lr;
	_ =	strace $0xD0000000  }
0x3: {  	_ = 	snop  }
0x4: {  	_ = 	snop  }
0x5: {  	_ = 	snop  }
0x6: {  	_ = 	snop  }
0x7: {  	_ = 	snop  }
__scs_overlays_trampoline_lowered:
0x8: {  	[smem:$0x3FAA] =	sst s0  }
0x9: {  	[smem:$0x3FAB] =	sst s1  }
0xa: {  	[smem:$0x3FAC] =	sst s2  }
0xb: {  	[smem:$0x3FAD] =	sst s3  }
0xc: {  	[smem:$0x3FAE] =	sst s4  }
0xd: {  	[smem:$0x3FAF] =	sst s5  }
0xe: {  	[smem:$0x3FB0] =	sst s6  }
0xf: {  	[smem:$0x3FB1] =	sst s7  }
0x10: {  	[smem:$0x3FB2] =	sst s8  }
0x11: {  	[smem:$0x3FB3] =	sst s9;
	s0 =	simm.s32 @!p0 $0x0  }
0x12: {  	s1 =	sld [smem:$0x3F99];
	s0 =	simm.s32 @p0 $0x1  }
0x13: {  	[smem:$0x3FB4] =	sst s0;
	s0 =	simm.s32 @!p1 $0x0  }
0x14: {  	s2 =	sld [smem:$0x3F98];
	s0 =	simm.s32 @p1 $0x1  }
0x15: {  	[smem:$0x3FB5] =	sst s0;
	s0 =	simm.s32 @!p2 $0x0  }
0x16: {  	s3 =	sld [smem:$0x3FDB];
	s0 =	simm.s32 @p2 $0x1  }
0x17: {  	s4 =	simm.s32 $0x1BF5;
	[smem:$0x3FB7] =	sst s0  }
0x18: {  	s0 =	sld [smem:$0x3F9A];
	_ =	swait.ge [sflag:s4], $0x0  }
0x19: {  	s7 =	sld [smem:$0x3F9B]  }
0x1a: {  	s8 =	sadd.s32 $0xFFFFE003, lr  }
0x1b: {  	s9 =	sadd.s32 $0xFFFFFEF7, lr;
	s5 =	simm.s32 $0xFFFFFFFF;
	p2 =	slt.u32 s8, $0xFFFFF086  }
0x1c: {  	p1 =	slt.u32 s9, $0xF7A;
	s5 =	simm.s32 @!p2 $0x0  }
0x1d: {  	s5 =	simm.s32 @p1 $0x1;
	p0 =	seq.s32 s7, s2  }
0x1e: {  	s7 =	smul.u32 @!p0 $0xF7A, s2;
	p2 =	seq.s32 @!p0 s5, $0x0  }
0x1f: {  	s9 =	smul.u32 $0xF7A, s1;
	s8 =	simm.s32 @!p0 $0x1BF5;
	p2 =	por !p2, p0  }
0x20: {  	[sflag:s8] =	ssyncset.s32 @!p0 $0xFFFFF086;
	s6 =	sadd.s32 @!p0 s3, s7;
	s7 =	simm.s32 @!p0 $0x108  }
0x21: {  	s3 =	sadd.s32 s3, s9;
	s6 =	sadd.s32 @!p0 $0x88, s6;
	s7 =	simm.s32 @p2 $0x1082  }
0x22: {  	[simem:s7], [sflag:s8] =	dma.local @!p0 [hbm:s6], $0xF7A  }
0x23: {  	s9 =	sor.u32 $0xD0000000, s2;
	s6 =	simm.s32 $0x108;
	_ =	swait.ge @!p0 [sflag:s8], $0x0  }
0x24: {  	s3 =	sadd.s32 $0x88, s3;
	s6 =	simm.s32 @!p1 $0x1082;
	[sflag:s4] =	ssyncset.s32 $0xFFFFF086  }
0x25: {  	[simem:s6], [sflag:s4] =	dma.local [hbm:s3], $0xF7A  }
0x26: {  	[smem:$0x3F9B] =	sst s1;
	(tag) =	ssettag s2;
	_ =	strace s9  }
0x27: {  	s1 =	sld [smem:$0x3FAB]  }
0x28: {  	s2 =	sld [smem:$0x3FAC]  }
0x29: {  	s4 =	sld [smem:$0x3FAE]  }
0x2a: {  	p0 =	seq.s32 s5, $0x0;
	s5 =	sld [smem:$0x3FAF]  }
0x2b: {  	s6 =	sld [smem:$0x3FB0]  }
0x2c: {  	s7 =	sld [smem:$0x3FB1]  }
0x2d: {  	s3 =	simm.s32 $0x108;
	s8 =	sld [smem:$0x3FB2]  }
0x2e: {  	s3 =	simm.s32 @!p0 $0x1082;
	s9 =	sld [smem:$0x3FB3]  }
0x2f: {  	lr =	sadd.s32 s0, s3;
	s0 =	sld [smem:$0x3FAA]  }
0x30: {  	s3 =	sld [smem:$0x3FAD]  }
0x31: {  	[smem:$0x3FB6] =	sst s10  }
0x32: {  	s10 =	sld [smem:$0x3FB4];
	_ =	sdelay $0x3  }
0x33: {  	p0 =	seq.s32 s10, $0x1;
	s10 =	sld [smem:$0x3FB6];
	_ =	sdelay $0x3  }
0x34: {  	[smem:$0x3FB6] =	sst s10  }
0x35: {  	s10 =	sld [smem:$0x3FB5];
	_ =	sdelay $0x3  }
0x36: {  	p1 =	seq.s32 s10, $0x1;
	s10 =	sld [smem:$0x3FB6];
	_ =	sdelay $0x3  }
0x37: {  	[smem:$0x3FB6] =	sst s10  }
0x38: {  	s10 =	sld [smem:$0x3FB7]  }
0x39: {  	_ = 	snop;
	(pc) =	sbr.ind lr, $3  }
0x3a: {  	_ = 	snop  }
0x3b: {  	_ = 	snop  }
0x3c: {  	p2 =	seq.s32 s10, $0x1;
	s10 =	sld [smem:$0x3FB6]  }
0x3d: {  	_ =	shalt  }
0x3e: {  	_ =	shalt  }
0x3f: {  	_ =	shalt  }
0x40: {  	_ =	shalt  }
0x41: {  	_ =	shalt  }
0x42: {  	_ =	shalt  }
0x43: {  	_ =	shalt  }
0x44: {  	_ =	shalt  }
0x45: {  	_ =	shalt  }
0x46: {  	_ =	shalt  }
0x47: {  	_ =	shalt  }
0x48: {  	_ =	shalt  }
0x49: {  	_ =	shalt  }
0x4a: {  	_ =	shalt  }
0x4b: {  	_ =	shalt  }
0x4c: {  	_ =	shalt  }
0x4d: {  	_ =	shalt  }
0x4e: {  	_ =	shalt  }
0x4f: {  	_ =	shalt  }
0x50: {  	_ =	shalt  }
0x51: {  	_ =	shalt  }
0x52: {  	_ =	shalt  }
0x53: {  	_ =	shalt  }
0x54: {  	_ =	shalt  }
0x55: {  	_ =	shalt  }
0x56: {  	_ =	shalt  }
0x57: {  	_ =	shalt  }
0x58: {  	_ =	shalt  }
0x59: {  	_ =	shalt  }
0x5a: {  	_ =	shalt  }
0x5b: {  	_ =	shalt  }
0x5c: {  	_ =	shalt  }
0x5d: {  	_ =	shalt  }
0x5e: {  	_ =	shalt  }
0x5f: {  	_ =	shalt  }
0x60: {  	_ =	shalt  }
0x61: {  	_ =	shalt  }
0x62: {  	_ =	shalt  }
0x63: {  	_ =	shalt  }
0x64: {  	_ =	shalt  }
0x65: {  	_ =	shalt  }
0x66: {  	_ =	shalt  }
0x67: {  	_ =	shalt  }
0x68: {  	_ =	shalt  }
0x69: {  	_ =	shalt  }
0x6a: {  	_ =	shalt  }
0x6b: {  	_ =	shalt  }
0x6c: {  	_ =	shalt  }
0x6d: {  	_ =	shalt  }
0x6e: {  	_ =	shalt  }
0x6f: {  	_ =	shalt  }
0x70: {  	_ =	shalt  }
0x71: {  	_ =	shalt  }
0x72: {  	_ =	shalt  }
0x73: {  	_ =	shalt  }
0x74: {  	_ =	shalt  }
0x75: {  	_ =	shalt  }
0x76: {  	_ =	shalt  }
0x77: {  	_ =	shalt  }
0x78: {  	_ =	shalt  }
0x79: {  	_ =	shalt  }
0x7a: {  	_ =	shalt  }
0x7b: {  	_ =	shalt  }
0x7c: {  	_ =	shalt  }
0x7d: {  	_ =	shalt  }
0x7e: {  	_ =	shalt  }
0x7f: {  	_ =	shalt  }
0x80: {  	_ =	shalt  }
0x81: {  	_ =	shalt  }
0x82: {  	_ =	shalt  }
0x83: {  	_ =	shalt  }
0x84: {  	_ =	shalt  }
0x85: {  	_ =	shalt  }
0x86: {  	_ =	shalt  }
0x87: {  	_ =	shalt  }
.Lfunc_end0:
.L_simem_size_0:
called_computation.2_lowered:
.L_overlay_start_0:
0x88: {  	s2 =	sld [smem:$0x3FD9]  }
0x89: {  	s3 =	sld [smem:$0x3FFE];
	_ =	sdelay $0x1  }
0x8a: {  	s1 =	srdreg.scid  }
0x8b: {  	s0 =	sand.u32 $0x1, s1  }
0x8c: {  	s17 =	sshll.u32 s0, $0xA;
	s2 =	sadd.s32 s3, s2  }
0x8d: {  	s2 =	sadd.s32 s2, s17  }
0x8e: {  	[smem:$0x3FC2] =	sst s2  }
0x8f: {  	_ = 	snop  }
0x90: {  	s2 =	sld [smem:$0x3FD0];
	(tm) =	ssettm $0x1  }
0x91: {  	s18 =	sld [smem:$0x3FFB];
	_ =	sdelay $0x3  }
0x92: {  	_ =	strace s18  }
0x93: {  	s3 =	sld [smem:$0x3FFC];
	_ =	sdelay $0x3  }
0x94: {  	_ =	strace s3  }
0x95: {  	s3 =	sld [smem:$0x3FFD];
	_ =	sdelay $0x3  }
0x96: {  	_ =	strace s3  }
0x97: {  	_ =	strace $0x8FFFFFFF  }
0x98: {  	s19 =	sld [smem:$0x3FDB];
	_ =	sdelay $0x1  }
0x99: {  	s4 =	simm.s32 $_scs_section_size  }
0x9a: {  	s5 =	simm.s32 $_size__tile_overlayer_lowered;
	s6 =	simm.s32 $_tile_overlayer_lowered  }
0x9b: {  	s22 =	simm.s32 $0x1BFF;
	s21 =	sshll.u32 s6, $0x1;
	s3 =	sadd.s32 s4, s19  }
0x9c: {  	s7 =	simm.s32 $0x0;
	s20 =	sshll.u32 s5, $0x1;
	s5 =	sadd.s32 s21, s3  }
0x9d: {  	[timem:s7], [sflag:s22] =	dma.local [hbm:s5], s20  }
0x9e: {  	_ =	swait.ge [sflag:s22], s20  }
0x9f: {  	s4 =	ssub.s32 $0x0, s20;
	[sflag:s22] =	ssyncset.done $0x0  }
0xa0: {  	[sflag:s22] =	ssyncadd.s32 s4;
	_ =	sdelay $0x1  }
0xa1: {  	s23 =	simm.s32 $0x1B8B  }
0xa2: {  	_ =	swait.ge [sflag:s23], $0x1  }
0xa3: {  	[sflag:s23] =	ssyncset.done $0x0  }
0xa4: {  	s25 =	simm.s32 $0x1B8E;
	s24 =	sld [smem:$0x3FFE];
	[sflag:s23] =	ssyncadd.s32 $0xFFFFFFFF  }
0xa5: {  	s26 =	simm.s32 $execute0_lowered;
	[smem:$0x3FD2] =	sst s25  }
0xa6: {  	s5 =	sshll.u32 s26, $0x1;
	_ =	strace $0x8000004C;
	[dreg:$0x1] =	wrdreg $0xFFFFFFFF  }
0xa7: {  	s28 =	simm.s32 $_size_execute0_lowered;
	s3 =	sadd.s32 s3, s5;
	[dreg:$0x0] =	wrdreg $0x0  }
0xa8: {  	s5 =	sshll.u32 s28, $0x1;
	[dreg:$0x2] =	wrdreg s3  }
0xa9: {  	[dreg:$0x3] =	wrdreg s5  }
0xaa: {  	[dreg:$0x4] =	wrdreg $0xC0  }
0xab: {  	_ =	task [dreg:s7], $0x5FFFF  }
0xac: {  	[dreg:$0x1] =	wrdreg $0xFFFFFFFF  }
0xad: {  	[dreg:$0x0] =	wrdreg $0x60  }
0xae: {  	[dreg:$0x2] =	wrdreg s2  }
0xaf: {  	[dreg:$0x3] =	wrdreg s24  }
0xb0: {  	[dreg:$0x4] =	wrdreg $0x9  }
0xb1: {  	_ =	task.clear_ibuf [dreg:s7], $0x5FFFF;
	_ =	strace $0x9000004C  }
0xb2: {  	s29 =	simm.s32 $0x9;
	_ =	strace $0x8000004E  }
0xb3: {  	_ =	swait.ge [sflag:s29], $0x1  }
0xb4: {  	[sflag:s29] =	ssyncadd.s32 $0xFFFFFFFF  }
0xb5: {  	_ =	strace $0x9000004E  }
0xb6: {  	_ =	sfence  }
0xb7: {  	s30 =	sld [smem:$0x0];
	_ =	sdelay $0x2  }
0xb8: {  	s31 =	sshll.u32 s1, $0xD;
	s1 =	sshrl.u32 s1, $0x2  }
0xb9: {  	s3 =	sand.u32 $0x4000, s31;
	s1 =	sadd.s32 s1, s30  }
0xba: {  	s0 =	sor.u32 s3, s0;
	s1 =	sshll.u32 s1, $0x11  }
0xbb: {  	s0 =	sor.u32 s1, s0  }
0xbc: {  	s0 =	sadd.s32 $0x8F2B, s0  }
0xbd: {  	[sflag:s0] =	ssyncadd.remote.s32 $0x1  }
0xbe: {  	_ =	sfence.sel $0xFFFF  }
0xbf: {  	[dreg:$0x0] =	wrdreg $0xFFFFFFFF;
	(pc) =	sbr.abs _section_cstart, $3  }
0xc0: {  	[dreg:$0x1] =	wrdreg $0xFFFFFFFF  }
0xc1: {  	_ =	task.clear_ibuf [dreg:s7], $0x2FFFF;
	_ =	strace $0x9FFFFFFF  }
0xc2: {  	(tm) =	ssettm $0x7FFFFFFF  }
0xc3: {  	_ =	shalt  }
tec
execute0_lowered:
.L_overlay_start_1:
0x0: {  	(tag) =	ssettag $0x1  }
0x1: {  	s5 =	rddreg [dreg:$0x0]  }
0x2: {  	s6 =	rddreg [dreg:$0x1];
	s1 =	srdreg.scid  }
0x3: {  	s0 =	rddreg [dreg:$0x2];
	s7 =	sand.u32 $0x1, s1  }
0x4: {  	s2 =	simm.s32 $0x0;
	s1 =	stileid.u32;
	s4 =	smul.u32 $0x28000, s7  }
0x5: {  	s12 =	simm.s32 $0x0;
	[smem:$0x7FF] =	sst s2;
	s8 =	smul.u32 $0x2800, s1  }
0x6: {  	s3 =	sadd.s32 $0xB600, s6;
	_ =	strace $0x8000004D;
	s9 =	smul.u32 $0x4E2, s1  }
0x7: {  	s8 =	sadd.s32 s8, s4;
	s4 =	smul.u32 $0x27100, s7;
	s7 =	ssub.s32 $0x2, s7  }
0x8: {  	s5 =	sadd.s32 s5, s9;
	s9 =	simm.s32 $0x7D00;
	s8 =	sshrl.u32 s8, $0x3  }
0x9: {  	s31 =	sshrl.u32 s7, $0x1;
	s8 =	sadd.s32 s8, s6;
	s10 =	sshrl.u32 s4, $0x3  }
0xa: {  	s11 =	ssub.s32 s7, s31;
	s6 =	sadd.s32 s3, s10;
	s7 =	sadd.s32 $0x15400, s8  }
0xb: {  	v0 =	vimm.f32 $0.0e+00;
	s8 =	smax.u32 s11, $0x1;
	s10 =	simm.s32 $0x3;
	s11 =	simm.s32 $0xA410  }
.LBB2_1:
0xc: {  	[tilespmem:s9], [sflag:$0x3] =	stream.linear.gather [hbm4b:s5+s2], $0x2710, $0x38;
	[tilespmem:$0xCC10] =	vst v63  }
0xd: {  	_ =	swait.ge [sflag:s10], $0x2710  }
0xe: {  	[sflag:s10] =	ssyncset.done $0x0  }
0xf: {  	s13 =	simm.s32 $0x40;
	s14 =	simm.s32 $0x0;
	[sflag:s10] =	ssyncadd.s32 $0xFFFFD8F0  }
.LBB2_2:
0x10: {  	p0 =	sne.s32 s13, $0x9FC0;
	[tilespmem:s14+$0xA410] =	vst v0;
	s14 =	smov.u32 s13;
	s13 =	sadd.s32 $0x40, s13  }
.Ltmp0:
0x11: {  	(pc) =	sbr.rel @p0 .LBB2_2-.Ltmp0, $2  }
0x12: {  	_ =	sdelay $0x2  }
0x13: {  	s14 =	sshra.s32 s14, $0x2  }
0x14: {  	[tilespmem:s14+$0xA410] =	vst v0;
	s13 =	simm.s32 $0x0;
	p0 =	por $0x0, $0x0  }
0x15: {  	[tilespmem:s13], [sflag:$0x1] =	stream.linear.gather [hbm4b:s6+s13], $0x3E80, $0x38;
	[tilespmem:$0xCC10] =	vst v63  }
.LBB2_5:
0x16: {  	s14 =	smov.u32 s13  }
0x17: {  	s15 =	sand.u32 $0x1, s13;
	s13 =	sadd.s32 $0x1, s13;
	p1 =	seq.s32 s14, $0x9  }
0x18: {  	s18 =	simm.s32 $0x1;
	s14 =	smul.u32 @!p1 $0x3E80, s13  }
0x19: {  	s18 =	simm.s32 @!p0 $0x0;
	s16 =	sxor.u32 @!p1 $0x1, s15  }
0x1a: {  	s19 =	simm.s32 @!p1 $0x0;
	s17 =	smul.u32 @!p1 $0xFA00, s16;
	s14 =	sadd.s32 @!p1 s4, s14  }
0x1b: {  	s30 =	smul.u32 $0xFA00, s18;
	s15 =	sadd.s32 $0x1, s15;
	s14 =	sshrl.u32 @!p1 s14, $0x3  }
0x1c: {  	s16 =	sadd.s32 @!p1 $0x1, s16;
	s17 =	sshrl.u32 @!p1 s17, $0x2;
	s14 =	sadd.s32 @!p1 s3, s14  }
0x1d: {  	[tilespmem:s17], [sflag:s16] =	stream.linear.gather @!p1 [hbm4b:s14+s19], $0x3E80, $0x38;
	[tilespmem:$0xCC10] =	vst v63  }
0x1e: {  	_ =	swait.ge [sflag:s15], $0x3E80  }
0x1f: {  	s14 =	sshrl.u32 s30, $0x2;
	[sflag:s15] =	ssyncset.done $0x0  }
0x20: {  	s31 =	sor.u32 $0x40, s14;
	[sflag:s15] =	ssyncadd.s32 $0xFFFFC180  }
0x21: {  	v1 =	vld [tilespmem:s31+$0x30]  }
0x22: {  	v2 =	vld [tilespmem:s31+$0xFFFFFFD0]  }
0x23: {  	v3 =	vld [tilespmem:s31+$0xFFFFFFE0]  }
0x24: {  	v4 =	vld [tilespmem:s31+$0xFFFFFFF0]  }
0x25: {  	v5 =	vld [tilespmem:s31+$0x0]  }
0x26: {  	v6 =	vld [tilespmem:s31+$0x10];
	v7 =	vand.u32 $0xFFFF, v1  }
0x27: {  	v11 =	vld [tilespmem:s31+$0x20];
	v8 =	vand.u32 $0xFFFF, v2  }
0x28: {  	v10 =	vand.u32 $0xFFFF, v3  }
0x29: {  	v9 =	vld [tilespmem:s31+$0xFFFFFFC0];
	v12 =	vand.u32 $0xFFFF, v4  }
0x2a: {  	v13 =	vand.u32 $0xFFFF, v5  }
0x2b: {  	v14 =	vand.u32 $0xFFFF, v6;
	v7 =	vld.idx.msk [tilespmem:v7+s9+$0x0], $0xffff  }
0x2c: {  	v16 =	vand.u32 $0xFFFF, v11;
	v8 =	vld.idx.msk [tilespmem:v8+s9+$0x0], $0xffff  }
0x2d: {  	v1 =	vshrl.u32 v1, $0x10;
	v10 =	vld.idx.msk [tilespmem:v10+s9+$0x0], $0xffff  }
0x2e: {  	v15 =	vand.u32 $0xFFFF, v9;
	v12 =	vld.idx.msk [tilespmem:v12+s9+$0x0], $0xffff  }
0x2f: {  	v2 =	vshrl.u32 v2, $0x10;
	v13 =	vld.idx.msk [tilespmem:v13+s9+$0x0], $0xffff  }
0x30: {  	v17 =	vshrl.u32 v3, $0x10;
	v3 =	vld.idx.msk [tilespmem:v14+s9+$0x0], $0xffff  }
0x31: {  	v63 =	vshrl.u32 v4, $0x10;
	v4 =	vld.idx.msk [tilespmem:v16+s9+$0x0], $0xffff  }
0x32: {  	[tilespmem:v1+s11+$0x0] =	vst.idx.add.f32.msk $0xffff, v7;
	v1 =	vshrl.u32 v5, $0x10  }
0x33: {  	v5 =	vld.idx.msk [tilespmem:v15+s9+$0x0], $0xffff;
	v7 =	vshrl.u32 v9, $0x10  }
0x34: {  	[tilespmem:v2+s11+$0x0] =	vst.idx.add.f32.msk $0xffff, v8  }
0x35: {  	[tilespmem:v17+s11+$0x0] =	vst.idx.add.f32.msk $0xffff, v10  }
0x36: {  	[tilespmem:v63+s11+$0x0] =	vst.idx.add.f32.msk $0xffff, v12  }
0x37: {  	[tilespmem:v1+s11+$0x0] =	vst.idx.add.f32.msk $0xffff, v13  }
0x38: {  	s14 =	simm.s32 $0x0;
	s15 =	sadd.s32 $0x80, s31;
	v2 =	vshrl.u32 v11, $0x10;
	v1 =	vshrl.u32 v6, $0x10;
	[tilespmem:v7+s11+$0x0] =	vst.idx.add.f32.msk $0xffff, v5  }
.LBB2_6:
0x39: {  	v5 =	vld [tilespmem:s15+$0x30];
	s14 =	sadd.s32 $0x8, s14  }
0x3a: {  	v6 =	vld [tilespmem:s15+$0xFFFFFFD0];
	p1 =	slt.u32 s14, $0x3E0  }
0x3b: {  	v7 =	vld [tilespmem:s15+$0xFFFFFFE0]  }
0x3c: {  	v8 =	vld [tilespmem:s15+$0xFFFFFFF0]  }
0x3d: {  	v9 =	vld [tilespmem:s15+$0x0]  }
0x3e: {  	v10 =	vld [tilespmem:s15+$0x10];
	v11 =	vand.u32 $0xFFFF, v5  }
0x3f: {  	v12 =	vshrl.u32 v6, $0x10;
	v6 =	vand.u32 $0xFFFF, v6;
	v13 =	vld [tilespmem:s15+$0x20]  }
0x40: {  	v14 =	vld [tilespmem:s15+$0xFFFFFFC0];
	v15 =	vshrl.u32 v7, $0x10;
	v7 =	vand.u32 $0xFFFF, v7  }
0x41: {  	v16 =	vshrl.u32 v8, $0x10;
	v8 =	vand.u32 $0xFFFF, v8;
	[tilespmem:v1+s11+$0x0] =	vst.idx.add.f32.msk $0xffff, v3  }
0x42: {  	v17 =	vshrl.u32 v9, $0x10;
	v3 =	vand.u32 $0xFFFF, v9;
	[tilespmem:v2+s11+$0x0] =	vst.idx.add.f32.msk $0xffff, v4  }
0x43: {  	v1 =	vshrl.u32 v10, $0x10;
	v4 =	vand.u32 $0xFFFF, v10;
	v9 =	vld.idx.msk [tilespmem:v11+s9+$0x0], $0xffff  }
0x44: {  	v5 =	vshrl.u32 v5, $0x10;
	v6 =	vld.idx.msk [tilespmem:v6+s9+$0x0], $0xffff;
	v2 =	vshrl.u32 v13, $0x10;
	v10 =	vand.u32 $0xFFFF, v13  }
0x45: {  	v11 =	vshrl.u32 v14, $0x10;
	v13 =	vand.u32 $0xFFFF, v14;
	v7 =	vld.idx.msk [tilespmem:v7+s9+$0x0], $0xffff  }
0x46: {  	v8 =	vld.idx.msk [tilespmem:v8+s9+$0x0], $0xffff  }
0x47: {  	v14 =	vld.idx.msk [tilespmem:v3+s9+$0x0], $0xffff  }
0x48: {  	v3 =	vld.idx.msk [tilespmem:v4+s9+$0x0], $0xffff  }
0x49: {  	[tilespmem:v5+s11+$0x0] =	vst.idx.add.f32.msk $0xffff, v9  }
0x4a: {  	v5 =	vld.idx.msk [tilespmem:v13+s9+$0x0], $0xffff  }
0x4b: {  	v4 =	vld.idx.msk [tilespmem:v10+s9+$0x0], $0xffff  }
.Ltmp1:
0x4c: {  	[tilespmem:v12+s11+$0x0] =	vst.idx.add.f32.msk $0xffff, v6;
	(pc) =	sbr.rel @p1 .LBB2_6-.Ltmp1, $4  }
0x4d: {  	[tilespmem:v15+s11+$0x0] =	vst.idx.add.f32.msk $0xffff, v7  }
0x4e: {  	[tilespmem:v16+s11+$0x0] =	vst.idx.add.f32.msk $0xffff, v8  }
0x4f: {  	[tilespmem:v17+s11+$0x0] =	vst.idx.add.f32.msk $0xffff, v14  }
0x50: {  	s15 =	sadd.s32 $0x80, s15;
	[tilespmem:v11+s11+$0x0] =	vst.idx.add.f32.msk $0xffff, v5  }
0x51: {  	_ =	sdelay $0x3  }
0x52: {  	[tilespmem:v1+s11+$0x0] =	vst.idx.add.f32.msk $0xffff, v3  }
0x53: {  	[tilespmem:v2+s11+$0x0] =	vst.idx.add.f32.msk $0xffff, v4  }
0x54: {  	p1 =	seq.s32 s13, $0xA  }
.Ltmp2:
0x55: {  	_ = 	snop;
	(pc) =	sbr.rel @!p1 .LBB2_5-.Ltmp2, $2  }
0x56: {  	_ =	sdelay $0x2  }
0x57: {  	p0 =	por !p0, !p0  }
0x58: {  	s12 =	sadd.s32 $0x1, s12  }
0x59: {  	p0 =	sne.s32 s12, s8  }
.Ltmp3:
0x5a: {  	_ = 	snop;
	(pc) =	sbr.rel @p0 .LBB2_1-.Ltmp3, $4  }
0x5b: {  	[hbm4b:s7+s2] =	stream.linear.scatter [tilespmem:s11], [sflag:$0x3], $0x2800, $0x38;
	[tilespmem:$0xCC10] =	vst v63  }
0x5c: {  	_ =	swait.ge [sflag:s10], $0x2800  }
0x5d: {  	[sflag:s10] =	ssyncset.done $0x0  }
0x5e: {  	[sflag:s10] =	ssyncadd.s32 $0xFFFFD800  }
0x5f: {  	_ =	sfence.sel $0x180000  }
0x60: {  	[bflag:$0x0] =	sbarrier.arrive $0xFFFF  }
0x61: {  	p0 =	sne.s32 s1, $0x0;
	_ =	strace $0x9000004D  }
0x62: {  	s0 =	sadd.s32 @!p0 $0x100000, s0;
	[bflag:$0x2] =	sbarrier.arrive $0xFFFF  }
0x63: {  	[sflag:s0] =	ssyncadd.tile.s32 @!p0 $0x1;
	_ =	shalt  }
.Lfunc_end2:
_tile_overlayer_lowered:
.L_overlay_start_2:
0x64: {  	(tag) =	ssettag $0x2  }
0x65: {  	s0 =	rddreg [dreg:$0x0];
	s2 =	stileid.u32  }
0x66: {  	s1 =	rddreg [dreg:$0x1];
	p0 =	sne.s32 s2, $0x0  }
0x67: {  	s3 =	rddreg [dreg:$0x2];
	[bflag:$0x3] =	sbarrier.arrive $0xFFFF;
	s2 =	simm.s32 @!p0 $0x1C03  }
0x68: {  	[timem:s3], [sflag:s2] =	dma.local @!p0 [hbm:s0], s1  }
0x69: {  	s0 =	simm.s32 @!p0 $0x3  }
0x6a: {  	_ =	swait.ge @!p0 [sflag:s0], s1  }
0x6b: {  	s1 =	ssub.s32 @!p0 $0x0, s1;
	[sflag:s0] =	ssyncset.done @!p0 $0x0  }
0x6c: {  	[sflag:s0] =	ssyncadd.s32 @!p0 s1  }
0x6d: {  	[bflag:$0x3] =	sbarrier.arrive $0xFFFF  }
0x6e: {  	_ =	shalt  }

// kernel: kernel.8.cloned.1.call-start
scs
__scs_entry_jumppad:
0x0: {  	(pc) =	sbr.rel $0x88, $3  }
0x1: {  	(tag) =	ssettag $0x0;
	lr =	simm.s32 $0x1  }
0x2: {  	[smem:$0x3F9B] =	sst lr;
	_ =	strace $0xD0000000  }
0x3: {  	_ = 	snop  }
0x4: {  	_ = 	snop  }
0x5: {  	_ = 	snop  }
0x6: {  	_ = 	snop  }
0x7: {  	_ = 	snop  }
__scs_overlays_trampoline_lowered:
0x8: {  	[smem:$0x3FAA] =	sst s0  }
0x9: {  	[smem:$0x3FAB] =	sst s1  }
0xa: {  	[smem:$0x3FAC] =	sst s2  }
0xb: {  	[smem:$0x3FAD] =	sst s3  }
0xc: {  	[smem:$0x3FAE] =	sst s4  }
0xd: {  	[smem:$0x3FAF] =	sst s5  }
0xe: {  	[smem:$0x3FB0] =	sst s6  }
0xf: {  	[smem:$0x3FB1] =	sst s7  }
0x10: {  	[smem:$0x3FB2] =	sst s8  }
0x11: {  	[smem:$0x3FB3] =	sst s9;
	s0 =	simm.s32 @!p0 $0x0  }
0x12: {  	s1 =	sld [smem:$0x3F99];
	s0 =	simm.s32 @p0 $0x1  }
0x13: {  	[smem:$0x3FB4] =	sst s0;
	s0 =	simm.s32 @!p1 $0x0  }
0x14: {  	s2 =	sld [smem:$0x3F98];
	s0 =	simm.s32 @p1 $0x1  }
0x15: {  	[smem:$0x3FB5] =	sst s0;
	s0 =	simm.s32 @!p2 $0x0  }
0x16: {  	s3 =	sld [smem:$0x3FDB];
	s0 =	simm.s32 @p2 $0x1  }
0x17: {  	s4 =	simm.s32 $0x1BF5;
	[smem:$0x3FB7] =	sst s0  }
0x18: {  	s0 =	sld [smem:$0x3F9A];
	_ =	swait.ge [sflag:s4], $0x0  }
0x19: {  	s7 =	sld [smem:$0x3F9B]  }
0x1a: {  	s8 =	sadd.s32 $0xFFFFE003, lr  }
0x1b: {  	s9 =	sadd.s32 $0xFFFFFEF7, lr;
	s5 =	simm.s32 $0xFFFFFFFF;
	p2 =	slt.u32 s8, $0xFFFFF086  }
0x1c: {  	p1 =	slt.u32 s9, $0xF7A;
	s5 =	simm.s32 @!p2 $0x0  }
0x1d: {  	s5 =	simm.s32 @p1 $0x1;
	p0 =	seq.s32 s7, s2  }
0x1e: {  	s7 =	smul.u32 @!p0 $0xF7A, s2;
	p2 =	seq.s32 @!p0 s5, $0x0  }
0x1f: {  	s9 =	smul.u32 $0xF7A, s1;
	s8 =	simm.s32 @!p0 $0x1BF5;
	p2 =	por !p2, p0  }
0x20: {  	[sflag:s8] =	ssyncset.s32 @!p0 $0xFFFFF086;
	s6 =	sadd.s32 @!p0 s3, s7;
	s7 =	simm.s32 @!p0 $0x108  }
0x21: {  	s3 =	sadd.s32 s3, s9;
	s6 =	sadd.s32 @!p0 $0x88, s6;
	s7 =	simm.s32 @p2 $0x1082  }
0x22: {  	[simem:s7], [sflag:s8] =	dma.local @!p0 [hbm:s6], $0xF7A  }
0x23: {  	s9 =	sor.u32 $0xD0000000, s2;
	s6 =	simm.s32 $0x108;
	_ =	swait.ge @!p0 [sflag:s8], $0x0  }
0x24: {  	s3 =	sadd.s32 $0x88, s3;
	s6 =	simm.s32 @!p1 $0x1082;
	[sflag:s4] =	ssyncset.s32 $0xFFFFF086  }
0x25: {  	[simem:s6], [sflag:s4] =	dma.local [hbm:s3], $0xF7A  }
0x26: {  	[smem:$0x3F9B] =	sst s1;
	(tag) =	ssettag s2;
	_ =	strace s9  }
0x27: {  	s1 =	sld [smem:$0x3FAB]  }
0x28: {  	s2 =	sld [smem:$0x3FAC]  }
0x29: {  	s4 =	sld [smem:$0x3FAE]  }
0x2a: {  	p0 =	seq.s32 s5, $0x0;
	s5 =	sld [smem:$0x3FAF]  }
0x2b: {  	s6 =	sld [smem:$0x3FB0]  }
0x2c: {  	s7 =	sld [smem:$0x3FB1]  }
0x2d: {  	s3 =	simm.s32 $0x108;
	s8 =	sld [smem:$0x3FB2]  }
0x2e: {  	s3 =	simm.s32 @!p0 $0x1082;
	s9 =	sld [smem:$0x3FB3]  }
0x2f: {  	lr =	sadd.s32 s0, s3;
	s0 =	sld [smem:$0x3FAA]  }
0x30: {  	s3 =	sld [smem:$0x3FAD]  }
0x31: {  	[smem:$0x3FB6] =	sst s10  }
0x32: {  	s10 =	sld [smem:$0x3FB4];
	_ =	sdelay $0x3  }
0x33: {  	p0 =	seq.s32 s10, $0x1;
	s10 =	sld [smem:$0x3FB6];
	_ =	sdelay $0x3  }
0x34: {  	[smem:$0x3FB6] =	sst s10  }
0x35: {  	s10 =	sld [smem:$0x3FB5];
	_ =	sdelay $0x3  }
0x36: {  	p1 =	seq.s32 s10, $0x1;
	s10 =	sld [smem:$0x3FB6];
	_ =	sdelay $0x3  }
0x37: {  	[smem:$0x3FB6] =	sst s10  }
0x38: {  	s10 =	sld [smem:$0x3FB7]  }
0x39: {  	_ = 	snop;
	(pc) =	sbr.ind lr, $3  }
0x3a: {  	_ = 	snop  }
0x3b: {  	_ = 	snop  }
0x3c: {  	p2 =	seq.s32 s10, $0x1;
	s10 =	sld [smem:$0x3FB6]  }
0x3d: {  	_ =	shalt  }
0x3e: {  	_ =	shalt  }
0x3f: {  	_ =	shalt  }
0x40: {  	_ =	shalt  }
0x41: {  	_ =	shalt  }
0x42: {  	_ =	shalt  }
0x43: {  	_ =	shalt  }
0x44: {  	_ =	shalt  }
0x45: {  	_ =	shalt  }
0x46: {  	_ =	shalt  }
0x47: {  	_ =	shalt  }
0x48: {  	_ =	shalt  }
0x49: {  	_ =	shalt  }
0x4a: {  	_ =	shalt  }
0x4b: {  	_ =	shalt  }
0x4c: {  	_ =	shalt  }
0x4d: {  	_ =	shalt  }
0x4e: {  	_ =	shalt  }
0x4f: {  	_ =	shalt  }
0x50: {  	_ =	shalt  }
0x51: {  	_ =	shalt  }
0x52: {  	_ =	shalt  }
0x53: {  	_ =	shalt  }
0x54: {  	_ =	shalt  }
0x55: {  	_ =	shalt  }
0x56: {  	_ =	shalt  }
0x57: {  	_ =	shalt  }
0x58: {  	_ =	shalt  }
0x59: {  	_ =	shalt  }
0x5a: {  	_ =	shalt  }
0x5b: {  	_ =	shalt  }
0x5c: {  	_ =	shalt  }
0x5d: {  	_ =	shalt  }
0x5e: {  	_ =	shalt  }
0x5f: {  	_ =	shalt  }
0x60: {  	_ =	shalt  }
0x61: {  	_ =	shalt  }
0x62: {  	_ =	shalt  }
0x63: {  	_ =	shalt  }
0x64: {  	_ =	shalt  }
0x65: {  	_ =	shalt  }
0x66: {  	_ =	shalt  }
0x67: {  	_ =	shalt  }
0x68: {  	_ =	shalt  }
0x69: {  	_ =	shalt  }
0x6a: {  	_ =	shalt  }
0x6b: {  	_ =	shalt  }
0x6c: {  	_ =	shalt  }
0x6d: {  	_ =	shalt  }
0x6e: {  	_ =	shalt  }
0x6f: {  	_ =	shalt  }
0x70: {  	_ =	shalt  }
0x71: {  	_ =	shalt  }
0x72: {  	_ =	shalt  }
0x73: {  	_ =	shalt  }
0x74: {  	_ =	shalt  }
0x75: {  	_ =	shalt  }
0x76: {  	_ =	shalt  }
0x77: {  	_ =	shalt  }
0x78: {  	_ =	shalt  }
0x79: {  	_ =	shalt  }
0x7a: {  	_ =	shalt  }
0x7b: {  	_ =	shalt  }
0x7c: {  	_ =	shalt  }
0x7d: {  	_ =	shalt  }
0x7e: {  	_ =	shalt  }
0x7f: {  	_ =	shalt  }
0x80: {  	_ =	shalt  }
0x81: {  	_ =	shalt  }
0x82: {  	_ =	shalt  }
0x83: {  	_ =	shalt  }
0x84: {  	_ =	shalt  }
0x85: {  	_ =	shalt  }
0x86: {  	_ =	shalt  }
0x87: {  	_ =	shalt  }
.Lfunc_end0:
.L_simem_size_0:
called_computation_lowered:
.L_overlay_start_0:
0x88: {  	s2 =	sld [smem:$0x3FD9]  }
0x89: {  	s3 =	sld [smem:$0x3FFE];
	_ =	sdelay $0x1  }
0x8a: {  	s1 =	srdreg.scid  }
0x8b: {  	s0 =	sand.u32 $0x1, s1  }
0x8c: {  	s17 =	sshll.u32 s0, $0xA;
	s2 =	sadd.s32 s3, s2  }
0x8d: {  	s2 =	sadd.s32 s2, s17  }
0x8e: {  	[smem:$0x3FC2] =	sst s2  }
0x8f: {  	_ = 	snop  }
0x90: {  	s2 =	sld [smem:$0x3FD0];
	(tm) =	ssettm $0x1  }
0x91: {  	s18 =	sld [smem:$0x3FFB];
	_ =	sdelay $0x3  }
0x92: {  	_ =	strace s18  }
0x93: {  	s3 =	sld [smem:$0x3FFC];
	_ =	sdelay $0x3  }
0x94: {  	_ =	strace s3  }
0x95: {  	s3 =	sld [smem:$0x3FFD];
	_ =	sdelay $0x3  }
0x96: {  	_ =	strace s3  }
0x97: {  	_ =	strace $0x8FFFFFFF  }
0x98: {  	s19 =	sld [smem:$0x3FDB];
	_ =	sdelay $0x1  }
0x99: {  	s4 =	simm.s32 $_scs_section_size  }
0x9a: {  	s5 =	simm.s32 $_size__tile_overlayer_lowered;
	s6 =	simm.s32 $_tile_overlayer_lowered  }
0x9b: {  	s22 =	simm.s32 $0x1BFF;
	s21 =	sshll.u32 s6, $0x1;
	s3 =	sadd.s32 s4, s19  }
0x9c: {  	s7 =	simm.s32 $0x0;
	s20 =	sshll.u32 s5, $0x1;
	s5 =	sadd.s32 s21, s3  }
0x9d: {  	[timem:s7], [sflag:s22] =	dma.local [hbm:s5], s20  }
0x9e: {  	_ =	swait.ge [sflag:s22], s20  }
0x9f: {  	s4 =	ssub.s32 $0x0, s20;
	[sflag:s22] =	ssyncset.done $0x0  }
0xa0: {  	[sflag:s22] =	ssyncadd.s32 s4;
	_ =	sdelay $0x1  }
0xa1: {  	s23 =	simm.s32 $0x1B8B  }
0xa2: {  	_ =	swait.ge [sflag:s23], $0x1  }
0xa3: {  	[sflag:s23] =	ssyncset.done $0x0  }
0xa4: {  	s25 =	simm.s32 $0x1B8E;
	s24 =	sld [smem:$0x3FFE];
	[sflag:s23] =	ssyncadd.s32 $0xFFFFFFFF  }
0xa5: {  	s26 =	simm.s32 $execute0_lowered;
	[smem:$0x3FD2] =	sst s25  }
0xa6: {  	s5 =	sshll.u32 s26, $0x1;
	_ =	strace $0x80000046;
	[dreg:$0x1] =	wrdreg $0xFFFFFFFF  }
0xa7: {  	s28 =	simm.s32 $_size_execute0_lowered;
	s3 =	sadd.s32 s3, s5;
	[dreg:$0x0] =	wrdreg $0x0  }
0xa8: {  	s5 =	sshll.u32 s28, $0x1;
	[dreg:$0x2] =	wrdreg s3  }
0xa9: {  	[dreg:$0x3] =	wrdreg s5  }
0xaa: {  	[dreg:$0x4] =	wrdreg $0xC0  }
0xab: {  	_ =	task [dreg:s7], $0x5FFFF  }
0xac: {  	[dreg:$0x1] =	wrdreg $0xFFFFFFFF  }
0xad: {  	[dreg:$0x0] =	wrdreg $0x60  }
0xae: {  	[dreg:$0x2] =	wrdreg s24  }
0xaf: {  	[dreg:$0x3] =	wrdreg s2  }
0xb0: {  	[dreg:$0x4] =	wrdreg $0x29E00  }
0xb1: {  	[dreg:$0x5] =	wrdreg $0x9  }
0xb2: {  	_ =	task.clear_ibuf [dreg:s7], $0x6FFFF;
	_ =	strace $0x90000046  }
0xb3: {  	s29 =	simm.s32 $0x9;
	_ =	strace $0x80000048  }
0xb4: {  	_ =	swait.ge [sflag:s29], $0x1  }
0xb5: {  	[sflag:s29] =	ssyncadd.s32 $0xFFFFFFFF  }
0xb6: {  	_ =	strace $0x90000048  }
0xb7: {  	_ =	sfence  }
0xb8: {  	s30 =	sld [smem:$0x0];
	_ =	sdelay $0x2  }
0xb9: {  	s31 =	sshll.u32 s1, $0xD;
	s1 =	sshrl.u32 s1, $0x2  }
0xba: {  	s3 =	sand.u32 $0x4000, s31;
	s1 =	sadd.s32 s1, s30  }
0xbb: {  	s0 =	sor.u32 s3, s0;
	s1 =	sshll.u32 s1, $0x11  }
0xbc: {  	s0 =	sor.u32 s1, s0  }
0xbd: {  	s0 =	sadd.s32 $0x8F2B, s0  }
0xbe: {  	[sflag:s0] =	ssyncadd.remote.s32 $0x1  }
0xbf: {  	_ =	sfence.sel $0xFFFF  }
0xc0: {  	[dreg:$0x0] =	wrdreg $0xFFFFFFFF;
	(pc) =	sbr.abs _section_cstart, $3  }
0xc1: {  	[dreg:$0x1] =	wrdreg $0xFFFFFFFF  }
0xc2: {  	_ =	task.clear_ibuf [dreg:s7], $0x2FFFF;
	_ =	strace $0x9FFFFFFF  }
0xc3: {  	(tm) =	ssettm $0x7FFFFFFF  }
tec
execute0_lowered:
.L_overlay_start_1:
0x0: {  	(tag) =	ssettag $0x1  }
0x1: {  	s4 =	rddreg [dreg:$0x0]  }
0x2: {  	s6 =	rddreg [dreg:$0x1];
	s0 =	srdreg.scid  }
0x3: {  	s2 =	rddreg [dreg:$0x2];
	s1 =	stileid.u32;
	s3 =	simm.s32 $0x0  }
0x4: {  	s11 =	simm.s32 $0x2710;
	s5 =	sand.u32 $0x1, s0;
	s0 =	rddreg [dreg:$0x3]  }
0x5: {  	s14 =	simm.s32 $0x0;
	s8 =	smul.u32 $0x280, s1;
	[smem:$0x7FF] =	sst s3  }
0x6: {  	s12 =	sshll.u32 s1, $0x6;
	s7 =	sshll.u32 s5, $0x4;
	s9 =	smul.u32 $0x2800, s5  }
0x7: {  	s5 =	ssub.s32 $0x2, s5;
	_ =	strace $0x80000047;
	s7 =	sor.u32 s1, s7  }
0x8: {  	s10 =	sshrl.u32 s5, $0x1;
	s7 =	smul.u32 $0x4E2, s7;
	s9 =	sadd.s32 s8, s9  }
0x9: {  	s12 =	sor.u32 $0x1C01, s12;
	s10 =	ssub.s32 s5, s10;
	s9 =	sshrl.u32 s9, $0x3  }
0xa: {  	s7 =	sadd.s32 s7, s4;
	s4 =	sadd.s32 s8, s2;
	s6 =	sadd.s32 s6, s9  }
0xb: {  	s8 =	simm.s32 $0x2760;
	s9 =	simm.s32 $0x1;
	s5 =	sadd.s32 $0x1800, s7  }
0xc: {  	v0 =	vimm.f32 $1.000000000e+00;
	v1 =	vimm.f32 $0.0e+00;
	s7 =	smax.u32 s10, $0x1;
	s10 =	simm.s32 $0x50;
	s13 =	sshrl.u32 s4, $0x3  }
.LBB2_1:
0xd: {  	[tilespmem:$0x2710] =	vst v0  }
0xe: {  	[tilespmem:$0x2720] =	vst v0  }
0xf: {  	[tilespmem:$0x2730] =	vst v0  }
0x10: {  	[tilespmem:$0x2740] =	vst v0  }
0x11: {  	[tilespmem:$0x2750] =	vst v0  }
0x12: {  	[tilespmem:$0x2760] =	vst v1  }
0x13: {  	[tilespmem:$0x2770] =	vst v1  }
0x14: {  	[tilespmem:$0x2780] =	vst v1  }
0x15: {  	[tilespmem:$0x2790] =	vst v1  }
0x16: {  	[tilespmem:$0x27A0] =	vst v1  }
0x17: {  	[tilespmem:$0x27B0] =	vst v1  }
0x18: {  	[tilespmem:$0x27C0] =	vst v1  }
0x19: {  	[tilespmem:$0x27D0] =	vst v1  }
0x1a: {  	[tilespmem:$0x27E0] =	vst v1  }
0x1b: {  	[tilespmem:$0x27F0] =	vst v1  }
0x1c: {  	[tilespmem:$0x2800] =	vst v1  }
0x1d: {  	[tilespmem:$0x2810] =	vst v1  }
0x1e: {  	[tilespmem:$0x2820] =	vst v1  }
0x1f: {  	[tilespmem:$0x2830] =	vst v1  }
0x20: {  	[tilespmem:$0x2840] =	vst v1  }
0x21: {  	[tilespmem:$0x2850] =	vst v1  }
0x22: {  	[tilespmem:$0x2860] =	vst v1  }
0x23: {  	[tilespmem:$0x2870] =	vst v1  }
0x24: {  	[tilespmem:$0x2880] =	vst v1  }
0x25: {  	[tilespmem:$0x2890] =	vst v1  }
0x26: {  	[tilespmem:$0x28A0] =	vst v1  }
0x27: {  	[tilespmem:$0x28B0] =	vst v1  }
0x28: {  	[tilespmem:$0x28C0] =	vst v1  }
0x29: {  	[tilespmem:$0x28D0] =	vst v1  }
0x2a: {  	[tilespmem:$0x28E0] =	vst v1  }
0x2b: {  	[tilespmem:$0x28F0] =	vst v1  }
0x2c: {  	[tilespmem:$0x2900] =	vst v1  }
0x2d: {  	[tilespmem:$0x2910] =	vst v1  }
0x2e: {  	[tilespmem:$0x2920] =	vst v1  }
0x2f: {  	[tilespmem:$0x2930] =	vst v1  }
0x30: {  	[tilespmem:$0x2940] =	vst v1  }
0x31: {  	[tilespmem:$0x2950] =	vst v1  }
0x32: {  	[tilespmem:$0x2960] =	vst v1  }
0x33: {  	[tilespmem:$0x2970] =	vst v1  }
0x34: {  	[tilespmem:$0x2980] =	vst v1  }
0x35: {  	[tilespmem:$0x2990] =	vst v1  }
0x36: {  	[tilespmem:$0x29A0] =	vst v1  }
0x37: {  	[tilespmem:$0x29B0] =	vst v1  }
0x38: {  	[tilespmem:$0x29C0] =	vst v1  }
0x39: {  	[tilespmem:$0x29D0] =	vst v1  }
0x3a: {  	[spmem:s4] =	stream.linear.scatter [tilespmem:s8], [sflag:$0x1], $0x280, $0x38;
	[tilespmem:$0x2C60] =	vst v63  }
0x3b: {  	_ =	swait.ge [sflag:s9], $0x280  }
0x3c: {  	[sflag:s9] =	ssyncset.done $0x0  }
0x3d: {  	[sflag:s9] =	ssyncadd.s32 $0xFFFFFD80  }
0x3e: {  	[bflag:$0x0] =	sbarrier.arrive $0xFFFF  }
0x3f: {  	[tilespmem:s3], [sflag:$0x1] =	stream.linear.gather [hbm4b:s5+s3], $0x2710, $0x38;
	[tilespmem:$0x2C60] =	vst v63  }
0x40: {  	_ =	swait.ge [sflag:s9], $0x2710  }
0x41: {  	[sflag:s9] =	ssyncset.done $0x0  }
0x42: {  	s15 =	simm.s32 $0x0;
	[sflag:s9] =	ssyncadd.s32 $0xFFFFD8F0  }
0x43: {  	[spmem:s2] =	stream.indirect.scatter.add.f32 [tilespmem:s11], [sflag:$0x1], $0x1, s15, s10, $0xb8;
	[tilespmem:$0x2C60] =	vst v63  }
0x44: {  	_ =	swait.ge [sflag:s9], $0x50  }
0x45: {  	s15 =	simm.s32 $0x140;
	[sflag:s9] =	ssyncset.done $0x0  }
.LBB2_2:
0x46: {  	s16 =	sshra.s32 s15, $0x2;
	[sflag:s9] =	ssyncadd.s32 $0xFFFFFFB0;
	p0 =	sne.s32 s15, $0x9B00  }
0x47: {  	[spmem:s2] =	stream.indirect.scatter.add.f32 [tilespmem:s11], [sflag:$0x1], $0x1, s16, s10, $0xb8;
	[tilespmem:$0x2C60] =	vst v63  }
.Ltmp0:
0x48: {  	_ = 	snop;
	(pc) =	sbr.rel @p0 .LBB2_2-.Ltmp0, $4  }
0x49: {  	_ = 	snop  }
0x4a: {  	s15 =	sadd.s32 $0x140, s15  }
0x4b: {  	_ =	swait.ge [sflag:s9], $0x50  }
0x4c: {  	[sflag:s9] =	ssyncset.done $0x0  }
0x4d: {  	s14 =	sadd.s32 $0x1, s14  }
0x4e: {  	[sflag:s9] =	ssyncadd.s32 $0xFFFFFFB0;
	p0 =	sne.s32 s14, s7  }
.Ltmp1:
0x4f: {  	[bflag:$0x0] =	sbarrier.arrive $0xFFFF;
	(pc) =	sbr.rel @p0 .LBB2_1-.Ltmp1, $4  }
0x50: {  	[hbm:s6], [sflag:s12] =	dma.local [spmem:s13], $0x50  }
0x51: {  	_ =	swait.ge [sflag:s9], $0x50  }
0x52: {  	[sflag:s9] =	ssyncset.done $0x0  }
0x53: {  	[sflag:s9] =	ssyncadd.s32 $0xFFFFFFB0  }
0x54: {  	_ =	sfence.sel $0x180000  }
0x55: {  	[bflag:$0x0] =	sbarrier.arrive $0xFFFF  }
0x56: {  	p0 =	sne.s32 s1, $0x0;
	_ =	strace $0x90000047  }
0x57: {  	s0 =	sadd.s32 @!p0 $0x100000, s0;
	[bflag:$0x2] =	sbarrier.arrive $0xFFFF  }
0x58: {  	[sflag:s0] =	ssyncadd.tile.s32 @!p0 $0x1;
	_ =	shalt  }
.Lfunc_end2:
_tile_overlayer_lowered:
.L_overlay_start_2:
0x59: {  	(tag) =	ssettag $0x2  }
0x5a: {  	s0 =	rddreg [dreg:$0x0];
	s2 =	stileid.u32  }
0x5b: {  	s1 =	rddreg [dreg:$0x1];
	p0 =	sne.s32 s2, $0x0  }
0x5c: {  	s3 =	rddreg [dreg:$0x2];
	[bflag:$0x3] =	sbarrier.arrive $0xFFFF;
	s2 =	simm.s32 @!p0 $0x1C01  }
0x5d: {  	[timem:s3], [sflag:s2] =	dma.local @!p0 [hbm:s0], s1  }
0x5e: {  	s0 =	simm.s32 @!p0 $0x1  }
0x5f: {  	_ =	swait.ge @!p0 [sflag:s0], s1  }
0x60: {  	s1 =	ssub.s32 @!p0 $0x0, s1;
	[sflag:s0] =	ssyncset.done @!p0 $0x0  }
0x61: {  	[sflag:s0] =	ssyncadd.s32 @!p0 s1  }
0x62: {  	[bflag:$0x3] =	sbarrier.arrive $0xFFFF  }
0x63: {  	_ =	shalt  }

</sc_bundles>
